<compile_context>
chip_gen: v7x
topology: tpu7x:2x2x1
jax: 0.10.2.dev20260603
libtpu: 0.0.44.dev20260713+nightly
codegen_flags: <defaults>
</compile_context>

<pallas_src>
import functools

import jax
import jax.numpy as jnp
from jax import lax
from jax.experimental import pallas as pl
from jax.experimental.pallas import tpu as pltpu
from jax.experimental.pallas import tpu_sc as plsc

D_MODEL = 128
NUM_CORES = 2
NUM_SUBCORES = 16
NUM_WORKERS = NUM_CORES * NUM_SUBCORES

GATHER_ROWS = 128
GATHERS_PER_CHUNK = 1
CHUNK = GATHER_ROWS * GATHERS_PER_CHUNK
NBUF = 6


def _gather_body(n_chunks, table_hbm, idx_hbm, out_hbm, idx_v, rows_v, gsem, wsem):
    wid = lax.axis_index("s") * NUM_CORES + lax.axis_index("c")
    idx_rows = n_chunks * GATHERS_PER_CHUNK
    pltpu.sync_copy(idx_hbm.at[pl.ds(wid * idx_rows, idx_rows)], idx_v)
    base_row = wid * n_chunks * CHUNK

    def gather_copies(i, b):
        return [
            pltpu.make_async_copy(
                table_hbm.at[idx_v.at[i * GATHERS_PER_CHUNK + k]],
                rows_v.at[b, pl.ds(k * GATHER_ROWS, GATHER_ROWS)],
                gsem.at[b],
            )
            for k in range(GATHERS_PER_CHUNK)
        ]

    def write_copy(i, b):
        return pltpu.make_async_copy(
            rows_v.at[b],
            out_hbm.at[pl.ds(base_row + i * CHUNK, CHUNK)],
            wsem.at[b],
        )

    def fire_gather(i, b):
        for c in gather_copies(i, b):
            c.start()

    def wait_gather(i, b):
        for c in gather_copies(i, b):
            c.wait()

    def step(i, b):
        wait_gather(i, b)
        write_copy(i, b).start()

        @pl.when(i >= 1)
        def _():
            write_copy(i - 1, (b + NBUF - 1) % NBUF).wait()

        @pl.when(i + NBUF - 1 < n_chunks)
        def _():
            fire_gather(i + NBUF - 1, (b + NBUF - 1) % NBUF)

    for j in range(min(NBUF - 1, n_chunks)):
        fire_gather(j, j)

    n_main = ((n_chunks - 1) // NBUF) * NBUF

    @pl.loop(0, n_main, step=NBUF)
    def _chunk_group(g):
        for b in range(NBUF):
            step(g + b, b)

    for i in range(n_main, n_chunks):
        step(i, i % NBUF)
    write_copy(n_chunks - 1, (n_chunks - 1) % NBUF).wait()


@functools.partial(jax.jit, static_argnames=("n_rows",))
def _gather(table, idx2d, n_rows):
    n_chunks = n_rows // (NUM_WORKERS * CHUNK)
    mesh = plsc.VectorSubcoreMesh(core_axis_name="c", subcore_axis_name="s")
    run = pl.kernel(
        functools.partial(_gather_body, n_chunks),
        out_type=jax.ShapeDtypeStruct((n_rows, D_MODEL), jnp.float32),
        mesh=mesh,
        scratch_types=[
            pltpu.VMEM((n_chunks * GATHERS_PER_CHUNK, GATHER_ROWS), jnp.int32),
            pltpu.VMEM((NBUF, CHUNK, D_MODEL), jnp.float32),
            pltpu.SemaphoreType.DMA((NBUF,)),
            pltpu.SemaphoreType.DMA((NBUF,)),
        ],
    )
    return run(table, idx2d)


def kernel(variate_ids, variate_embed):
    batch, hist = variate_ids.shape
    n_rows = batch * hist
    idx2d = variate_ids.reshape(n_rows // GATHER_ROWS, GATHER_ROWS)
    idx2d = idx2d.astype(jnp.int32)
    out = _gather(variate_embed, idx2d, n_rows)
    return out.reshape(batch, hist, D_MODEL)

# --- scband reference (transcript-rebuilt; emitter-appended) ---
"""Pipeline reference for scband-variate-embedding-24739011625039 (READ-ONLY COPY).

The authoritative reference and input builder live on the scoring server;
editing this copy changes nothing except your own understanding.
"""

import jax, jax.numpy as jnp
import numpy as np

NUM_VARIATES = 100000
D_MODEL = 128
BATCH = 4096
HIST = 200

def setup_inputs(seed: int = 0) -> dict:
    key = jax.random.key(seed)
    k_idx, k_tab = jax.random.split(key)
    variate_ids = jax.random.randint(k_idx, (BATCH, HIST), 0, NUM_VARIATES, dtype=jnp.int64 if jax.config.jax_enable_x64 else jnp.int32)
    variate_embed = jax.random.normal(k_tab, (NUM_VARIATES, D_MODEL), dtype=jnp.float32)
    return {"variate_ids": variate_ids, "variate_embed": variate_embed}

def reference(variate_ids, variate_embed):
    # nn.Embedding lookup: table[idx]
    return jnp.take(variate_embed, variate_ids, axis=0)

if __name__ == "__main__":
    import jax
    _d = setup_inputs()
    print(jax.jit(kernel)(*tuple(_d.values())))

</pallas_src>

<mosaic_0001>
#map = affine_map<(d0, d1) -> (0, 0)>
module attributes {stable_mosaic.version = 14 : i64} {
  func.func @_gather_body(%arg0: i32, %arg1: i32, %arg2: memref<100000x128xf32, #tpu.memory_space<hbm>>, %arg3: memref<6400x128xi32, #tpu.memory_space<hbm>>, %arg4: memref<819200x128xf32, #tpu.memory_space<hbm>>, %arg5: memref<200x128xi32, #tpu.memory_space<vmem>>, %arg6: memref<6x128x128xf32, #tpu.memory_space<vmem>>, %arg7: memref<6x!tpu.dma_semaphore, #tpu.memory_space<semaphore_mem>>, %arg8: memref<6x!tpu.dma_semaphore, #tpu.memory_space<semaphore_mem>>) attributes {dimension_semantics = [#tpu.dimension_semantics<core_parallel>, #tpu.dimension_semantics<subcore_parallel>], iteration_bounds = array<i64: 2, 16>, scalar_prefetch = 0 : i64, scratch_operands = 4 : i64, tpu.core_type = #tpu.core_type<sc_vector_subcore>, window_params = [{transform_indices = #map}, {transform_indices = #map}, {transform_indices = #map}]} {
    %mul3A = arith.constant 2 : i32
    %mul3A_0 = arith.muli %arg1, %mul3A : i32
    %add3A = arith.addi %mul3A_0, %arg0 : i32
    %mul3A_1 = arith.constant 200 : i32
    %mul3A_2 = arith.muli %add3A, %mul3A_1 : i32
    "tpu.region"() ({
      %run_scoped3A = tpu.sem_alloc : memref<!tpu.dma_semaphore, #tpu.memory_space<semaphore_mem>>
      %dma_start3A_204 = arith.constant 0 : i32
      %dma_start3A_205 = tpu.memref_slice %arg3[%mul3A_2, %dma_start3A_204] : memref<6400x128xi32, #tpu.memory_space<hbm>> -> memref<200x128xi32, #tpu.memory_space<hbm>>
      %dma_start3A_206 = arith.constant 0 : i32
      %dma_start3A_207 = tpu.memref_slice %arg3[%mul3A_2, %dma_start3A_206] : memref<6400x128xi32, #tpu.memory_space<hbm>> -> memref<200x128xi32, #tpu.memory_space<hbm>>
      tpu.enqueue_dma source(%dma_start3A_207 : memref<200x128xi32, #tpu.memory_space<hbm>>) target(%arg5 : memref<200x128xi32, #tpu.memory_space<vmem>>) target_semaphore(%run_scoped3A : memref<!tpu.dma_semaphore, #tpu.memory_space<semaphore_mem>>)
      %dma_wait3A_208 = arith.constant 0 : i32
      %dma_wait3A_209 = tpu.memref_slice %arg3[%mul3A_2, %dma_wait3A_208] : memref<6400x128xi32, #tpu.memory_space<hbm>> -> memref<200x128xi32, #tpu.memory_space<hbm>>
      %dma_wait3A_210 = arith.constant 0 : i32
      %dma_wait3A_211 = tpu.memref_slice %arg3[%mul3A_2, %dma_wait3A_210] : memref<6400x128xi32, #tpu.memory_space<hbm>> -> memref<200x128xi32, #tpu.memory_space<hbm>>
      tpu.wait_dma2 semaphore(%run_scoped3A : memref<!tpu.dma_semaphore, #tpu.memory_space<semaphore_mem>>) src(%dma_wait3A_211 : memref<200x128xi32, #tpu.memory_space<hbm>>) dst(%arg5 : memref<200x128xi32, #tpu.memory_space<vmem>>)
      tpu.yield
    }) : () -> ()
    %mul3A_3 = arith.constant 200 : i32
    %mul3A_4 = arith.muli %add3A, %mul3A_3 : i32
    %mul3A_5 = arith.constant 128 : i32
    %mul3A_6 = arith.muli %mul3A_4, %mul3A_5 : i32
    %dma_start3A = arith.constant 0 : i32
    %dma_start3A_7 = arith.constant 0 : i32
    %dma_start3A_8 = arith.constant 0 : i32
    %dma_start3A_9 = arith.constant 0 : i32
    %dma_start3A_10 = arith.constant 0 : i32
    %dma_start3A_11 = tpu.memref_slice %arg6[%dma_start3A_7, %dma_start3A_9, %dma_start3A_10] : memref<6x128x128xf32, #tpu.memory_space<vmem>> -> memref<1x128x128xf32, #tpu.memory_space<vmem>>
    %dma_start3A_12 = tpu.memref_squeeze %dma_start3A_11 : memref<1x128x128xf32, #tpu.memory_space<vmem>> -> memref<128x128xf32, #tpu.memory_space<vmem>>
    %dma_start3A_13 = arith.constant 0 : i32
    %dma_start3A_14 = tpu.memref_slice %arg5[%dma_start3A, %dma_start3A_13] : memref<200x128xi32, #tpu.memory_space<vmem>> -> memref<1x128xi32, #tpu.memory_space<vmem>>
    %dma_start3A_15 = tpu.memref_squeeze %dma_start3A_14 : memref<1x128xi32, #tpu.memory_space<vmem>> -> memref<128xi32, #tpu.memory_space<vmem>>
    %dma_start3A_16 = arith.constant 0 : i32
    %dma_start3A_17 = arith.constant 0 : i32
    %dma_start3A_18 = tpu.memref_slice %arg2[%dma_start3A_16, %dma_start3A_17] : memref<100000x128xf32, #tpu.memory_space<hbm>> -> memref<100000x128xf32, #tpu.memory_space<hbm>>
    %dma_start3A_19 = tpu.memref_slice %arg7[%dma_start3A_8] : memref<6x!tpu.dma_semaphore, #tpu.memory_space<semaphore_mem>> -> memref<1x!tpu.dma_semaphore, #tpu.memory_space<semaphore_mem>>
    %dma_start3A_20 = tpu.memref_squeeze %dma_start3A_19 : memref<1x!tpu.dma_semaphore, #tpu.memory_space<semaphore_mem>> -> memref<!tpu.dma_semaphore, #tpu.memory_space<semaphore_mem>>
    tpu.enqueue_indirect_dma source(%dma_start3A_18 : memref<100000x128xf32, #tpu.memory_space<hbm>>) target(%dma_start3A_12 : memref<128x128xf32, #tpu.memory_space<vmem>>) offsets(%dma_start3A_15 : memref<128xi32, #tpu.memory_space<vmem>>) semaphore(%dma_start3A_20 : memref<!tpu.dma_semaphore, #tpu.memory_space<semaphore_mem>>)
    %dma_start3A_21 = arith.constant 1 : i32
    %dma_start3A_22 = arith.constant 1 : i32
    %dma_start3A_23 = arith.constant 1 : i32
    %dma_start3A_24 = arith.constant 0 : i32
    %dma_start3A_25 = arith.constant 0 : i32
    %dma_start3A_26 = tpu.memref_slice %arg6[%dma_start3A_22, %dma_start3A_24, %dma_start3A_25] : memref<6x128x128xf32, #tpu.memory_space<vmem>> -> memref<1x128x128xf32, #tpu.memory_space<vmem>>
    %dma_start3A_27 = tpu.memref_squeeze %dma_start3A_26 : memref<1x128x128xf32, #tpu.memory_space<vmem>> -> memref<128x128xf32, #tpu.memory_space<vmem>>
    %dma_start3A_28 = arith.constant 0 : i32
    %dma_start3A_29 = tpu.memref_slice %arg5[%dma_start3A_21, %dma_start3A_28] : memref<200x128xi32, #tpu.memory_space<vmem>> -> memref<1x128xi32, #tpu.memory_space<vmem>>
    %dma_start3A_30 = tpu.memref_squeeze %dma_start3A_29 : memref<1x128xi32, #tpu.memory_space<vmem>> -> memref<128xi32, #tpu.memory_space<vmem>>
    %dma_start3A_31 = arith.constant 0 : i32
    %dma_start3A_32 = arith.constant 0 : i32
    %dma_start3A_33 = tpu.memref_slice %arg2[%dma_start3A_31, %dma_start3A_32] : memref<100000x128xf32, #tpu.memory_space<hbm>> -> memref<100000x128xf32, #tpu.memory_space<hbm>>
    %dma_start3A_34 = tpu.memref_slice %arg7[%dma_start3A_23] : memref<6x!tpu.dma_semaphore, #tpu.memory_space<semaphore_mem>> -> memref<1x!tpu.dma_semaphore, #tpu.memory_space<semaphore_mem>>
    %dma_start3A_35 = tpu.memref_squeeze %dma_start3A_34 : memref<1x!tpu.dma_semaphore, #tpu.memory_space<semaphore_mem>> -> memref<!tpu.dma_semaphore, #tpu.memory_space<semaphore_mem>>
    tpu.enqueue_indirect_dma source(%dma_start3A_33 : memref<100000x128xf32, #tpu.memory_space<hbm>>) target(%dma_start3A_27 : memref<128x128xf32, #tpu.memory_space<vmem>>) offsets(%dma_start3A_30 : memref<128xi32, #tpu.memory_space<vmem>>) semaphore(%dma_start3A_35 : memref<!tpu.dma_semaphore, #tpu.memory_space<semaphore_mem>>)
    %dma_start3A_36 = arith.constant 2 : i32
    %dma_start3A_37 = arith.constant 2 : i32
    %dma_start3A_38 = arith.constant 2 : i32
    %dma_start3A_39 = arith.constant 0 : i32
    %dma_start3A_40 = arith.constant 0 : i32
    %dma_start3A_41 = tpu.memref_slice %arg6[%dma_start3A_37, %dma_start3A_39, %dma_start3A_40] : memref<6x128x128xf32, #tpu.memory_space<vmem>> -> memref<1x128x128xf32, #tpu.memory_space<vmem>>
    %dma_start3A_42 = tpu.memref_squeeze %dma_start3A_41 : memref<1x128x128xf32, #tpu.memory_space<vmem>> -> memref<128x128xf32, #tpu.memory_space<vmem>>
    %dma_start3A_43 = arith.constant 0 : i32
    %dma_start3A_44 = tpu.memref_slice %arg5[%dma_start3A_36, %dma_start3A_43] : memref<200x128xi32, #tpu.memory_space<vmem>> -> memref<1x128xi32, #tpu.memory_space<vmem>>
    %dma_start3A_45 = tpu.memref_squeeze %dma_start3A_44 : memref<1x128xi32, #tpu.memory_space<vmem>> -> memref<128xi32, #tpu.memory_space<vmem>>
    %dma_start3A_46 = arith.constant 0 : i32
    %dma_start3A_47 = arith.constant 0 : i32
    %dma_start3A_48 = tpu.memref_slice %arg2[%dma_start3A_46, %dma_start3A_47] : memref<100000x128xf32, #tpu.memory_space<hbm>> -> memref<100000x128xf32, #tpu.memory_space<hbm>>
    %dma_start3A_49 = tpu.memref_slice %arg7[%dma_start3A_38] : memref<6x!tpu.dma_semaphore, #tpu.memory_space<semaphore_mem>> -> memref<1x!tpu.dma_semaphore, #tpu.memory_space<semaphore_mem>>
    %dma_start3A_50 = tpu.memref_squeeze %dma_start3A_49 : memref<1x!tpu.dma_semaphore, #tpu.memory_space<semaphore_mem>> -> memref<!tpu.dma_semaphore, #tpu.memory_space<semaphore_mem>>
    tpu.enqueue_indirect_dma source(%dma_start3A_48 : memref<100000x128xf32, #tpu.memory_space<hbm>>) target(%dma_start3A_42 : memref<128x128xf32, #tpu.memory_space<vmem>>) offsets(%dma_start3A_45 : memref<128xi32, #tpu.memory_space<vmem>>) semaphore(%dma_start3A_50 : memref<!tpu.dma_semaphore, #tpu.memory_space<semaphore_mem>>)
    %dma_start3A_51 = arith.constant 3 : i32
    %dma_start3A_52 = arith.constant 3 : i32
    %dma_start3A_53 = arith.constant 3 : i32
    %dma_start3A_54 = arith.constant 0 : i32
    %dma_start3A_55 = arith.constant 0 : i32
    %dma_start3A_56 = tpu.memref_slice %arg6[%dma_start3A_52, %dma_start3A_54, %dma_start3A_55] : memref<6x128x128xf32, #tpu.memory_space<vmem>> -> memref<1x128x128xf32, #tpu.memory_space<vmem>>
    %dma_start3A_57 = tpu.memref_squeeze %dma_start3A_56 : memref<1x128x128xf32, #tpu.memory_space<vmem>> -> memref<128x128xf32, #tpu.memory_space<vmem>>
    %dma_start3A_58 = arith.constant 0 : i32
    %dma_start3A_59 = tpu.memref_slice %arg5[%dma_start3A_51, %dma_start3A_58] : memref<200x128xi32, #tpu.memory_space<vmem>> -> memref<1x128xi32, #tpu.memory_space<vmem>>
    %dma_start3A_60 = tpu.memref_squeeze %dma_start3A_59 : memref<1x128xi32, #tpu.memory_space<vmem>> -> memref<128xi32, #tpu.memory_space<vmem>>
    %dma_start3A_61 = arith.constant 0 : i32
    %dma_start3A_62 = arith.constant 0 : i32
    %dma_start3A_63 = tpu.memref_slice %arg2[%dma_start3A_61, %dma_start3A_62] : memref<100000x128xf32, #tpu.memory_space<hbm>> -> memref<100000x128xf32, #tpu.memory_space<hbm>>
    %dma_start3A_64 = tpu.memref_slice %arg7[%dma_start3A_53] : memref<6x!tpu.dma_semaphore, #tpu.memory_space<semaphore_mem>> -> memref<1x!tpu.dma_semaphore, #tpu.memory_space<semaphore_mem>>
    %dma_start3A_65 = tpu.memref_squeeze %dma_start3A_64 : memref<1x!tpu.dma_semaphore, #tpu.memory_space<semaphore_mem>> -> memref<!tpu.dma_semaphore, #tpu.memory_space<semaphore_mem>>
    tpu.enqueue_indirect_dma source(%dma_start3A_63 : memref<100000x128xf32, #tpu.memory_space<hbm>>) target(%dma_start3A_57 : memref<128x128xf32, #tpu.memory_space<vmem>>) offsets(%dma_start3A_60 : memref<128xi32, #tpu.memory_space<vmem>>) semaphore(%dma_start3A_65 : memref<!tpu.dma_semaphore, #tpu.memory_space<semaphore_mem>>)
    %dma_start3A_66 = arith.constant 4 : i32
    %dma_start3A_67 = arith.constant 4 : i32
    %dma_start3A_68 = arith.constant 4 : i32
    %dma_start3A_69 = arith.constant 0 : i32
    %dma_start3A_70 = arith.constant 0 : i32
    %dma_start3A_71 = tpu.memref_slice %arg6[%dma_start3A_67, %dma_start3A_69, %dma_start3A_70] : memref<6x128x128xf32, #tpu.memory_space<vmem>> -> memref<1x128x128xf32, #tpu.memory_space<vmem>>
    %dma_start3A_72 = tpu.memref_squeeze %dma_start3A_71 : memref<1x128x128xf32, #tpu.memory_space<vmem>> -> memref<128x128xf32, #tpu.memory_space<vmem>>
    %dma_start3A_73 = arith.constant 0 : i32
    %dma_start3A_74 = tpu.memref_slice %arg5[%dma_start3A_66, %dma_start3A_73] : memref<200x128xi32, #tpu.memory_space<vmem>> -> memref<1x128xi32, #tpu.memory_space<vmem>>
    %dma_start3A_75 = tpu.memref_squeeze %dma_start3A_74 : memref<1x128xi32, #tpu.memory_space<vmem>> -> memref<128xi32, #tpu.memory_space<vmem>>
    %dma_start3A_76 = arith.constant 0 : i32
    %dma_start3A_77 = arith.constant 0 : i32
    %dma_start3A_78 = tpu.memref_slice %arg2[%dma_start3A_76, %dma_start3A_77] : memref<100000x128xf32, #tpu.memory_space<hbm>> -> memref<100000x128xf32, #tpu.memory_space<hbm>>
    %dma_start3A_79 = tpu.memref_slice %arg7[%dma_start3A_68] : memref<6x!tpu.dma_semaphore, #tpu.memory_space<semaphore_mem>> -> memref<1x!tpu.dma_semaphore, #tpu.memory_space<semaphore_mem>>
    %dma_start3A_80 = tpu.memref_squeeze %dma_start3A_79 : memref<1x!tpu.dma_semaphore, #tpu.memory_space<semaphore_mem>> -> memref<!tpu.dma_semaphore, #tpu.memory_space<semaphore_mem>>
    tpu.enqueue_indirect_dma source(%dma_start3A_78 : memref<100000x128xf32, #tpu.memory_space<hbm>>) target(%dma_start3A_72 : memref<128x128xf32, #tpu.memory_space<vmem>>) offsets(%dma_start3A_75 : memref<128xi32, #tpu.memory_space<vmem>>) semaphore(%dma_start3A_80 : memref<!tpu.dma_semaphore, #tpu.memory_space<semaphore_mem>>)
    %scan3A = arith.constant 0 : i32
    %scan3A_81 = arith.constant 33 : i32
    %scan3A_82 = arith.addi %scan3A, %scan3A_81 : i32
    %scan3A_83 = arith.constant 1 : i32
    scf.for %scan3A_204 = %scan3A to %scan3A_82 step %scan3A_83  : i32 {
      %mul3A_205 = arith.constant 6 : i32
      %mul3A_206 = arith.muli %scan3A_204, %mul3A_205 : i32
      %add3A_207 = arith.constant 0 : i32
      %add3A_208 = arith.addi %add3A_207, %mul3A_206 : i32
      %add3A_209 = arith.constant 0 : i32
      %add3A_210 = arith.addi %add3A_208, %add3A_209 : i32
      %mul3A_211 = arith.constant 1 : i32
      %mul3A_212 = arith.muli %add3A_210, %mul3A_211 : i32
      %add3A_213 = arith.constant 0 : i32
      %add3A_214 = arith.addi %mul3A_212, %add3A_213 : i32
      %dma_wait3A_215 = arith.constant 0 : i32
      %dma_wait3A_216 = arith.constant 0 : i32
      %dma_wait3A_217 = arith.constant 0 : i32
      %dma_wait3A_218 = arith.constant 0 : i32
      %dma_wait3A_219 = tpu.memref_slice %arg6[%dma_wait3A_215, %dma_wait3A_217, %dma_wait3A_218] : memref<6x128x128xf32, #tpu.memory_space<vmem>> -> memref<1x128x128xf32, #tpu.memory_space<vmem>>
      %dma_wait3A_220 = tpu.memref_squeeze %dma_wait3A_219 : memref<1x128x128xf32, #tpu.memory_space<vmem>> -> memref<128x128xf32, #tpu.memory_space<vmem>>
      %dma_wait3A_221 = arith.constant 0 : i32
      %dma_wait3A_222 = tpu.memref_slice %arg5[%add3A_214, %dma_wait3A_221] : memref<200x128xi32, #tpu.memory_space<vmem>> -> memref<1x128xi32, #tpu.memory_space<vmem>>
      %dma_wait3A_223 = tpu.memref_squeeze %dma_wait3A_222 : memref<1x128xi32, #tpu.memory_space<vmem>> -> memref<128xi32, #tpu.memory_space<vmem>>
      %dma_wait3A_224 = arith.constant 0 : i32
      %dma_wait3A_225 = arith.constant 0 : i32
      %dma_wait3A_226 = tpu.memref_slice %arg2[%dma_wait3A_224, %dma_wait3A_225] : memref<100000x128xf32, #tpu.memory_space<hbm>> -> memref<100000x128xf32, #tpu.memory_space<hbm>>
      %dma_wait3A_227 = tpu.memref_slice %arg7[%dma_wait3A_216] : memref<6x!tpu.dma_semaphore, #tpu.memory_space<semaphore_mem>> -> memref<1x!tpu.dma_semaphore, #tpu.memory_space<semaphore_mem>>
      %dma_wait3A_228 = tpu.memref_squeeze %dma_wait3A_227 : memref<1x!tpu.dma_semaphore, #tpu.memory_space<semaphore_mem>> -> memref<!tpu.dma_semaphore, #tpu.memory_space<semaphore_mem>>
      tpu.wait_indirect_dma semaphore(%dma_wait3A_228 : memref<!tpu.dma_semaphore, #tpu.memory_space<semaphore_mem>>) src(%dma_wait3A_226 : memref<100000x128xf32, #tpu.memory_space<hbm>>) dst(%dma_wait3A_220 : memref<128x128xf32, #tpu.memory_space<vmem>>)
      %mul3A_229 = arith.constant 128 : i32
      %mul3A_230 = arith.muli %add3A_210, %mul3A_229 : i32
      %add3A_231 = arith.addi %mul3A_6, %mul3A_230 : i32
      %dma_start3A_232 = arith.constant 0 : i32
      %dma_start3A_233 = arith.constant 0 : i32
      %dma_start3A_234 = arith.constant 0 : i32
      %dma_start3A_235 = arith.constant 0 : i32
      %dma_start3A_236 = tpu.memref_slice %arg6[%dma_start3A_232, %dma_start3A_234, %dma_start3A_235] : memref<6x128x128xf32, #tpu.memory_space<vmem>> -> memref<1x128x128xf32, #tpu.memory_space<vmem>>
      %dma_start3A_237 = tpu.memref_squeeze %dma_start3A_236 : memref<1x128x128xf32, #tpu.memory_space<vmem>> -> memref<128x128xf32, #tpu.memory_space<vmem>>
      %dma_start3A_238 = arith.constant 0 : i32
      %dma_start3A_239 = tpu.memref_slice %arg4[%add3A_231, %dma_start3A_238] : memref<819200x128xf32, #tpu.memory_space<hbm>> -> memref<128x128xf32, #tpu.memory_space<hbm>>
      %dma_start3A_240 = tpu.memref_slice %arg8[%dma_start3A_233] : memref<6x!tpu.dma_semaphore, #tpu.memory_space<semaphore_mem>> -> memref<1x!tpu.dma_semaphore, #tpu.memory_space<semaphore_mem>>
      %dma_start3A_241 = tpu.memref_squeeze %dma_start3A_240 : memref<1x!tpu.dma_semaphore, #tpu.memory_space<semaphore_mem>> -> memref<!tpu.dma_semaphore, #tpu.memory_space<semaphore_mem>>
      %dma_start3A_242 = arith.constant 0 : i32
      %dma_start3A_243 = tpu.memref_slice %arg4[%add3A_231, %dma_start3A_242] : memref<819200x128xf32, #tpu.memory_space<hbm>> -> memref<128x128xf32, #tpu.memory_space<hbm>>
      %dma_start3A_244 = arith.constant 0 : i32
      %dma_start3A_245 = arith.constant 0 : i32
      %dma_start3A_246 = tpu.memref_slice %arg6[%dma_start3A_232, %dma_start3A_244, %dma_start3A_245] : memref<6x128x128xf32, #tpu.memory_space<vmem>> -> memref<1x128x128xf32, #tpu.memory_space<vmem>>
      %dma_start3A_247 = tpu.memref_squeeze %dma_start3A_246 : memref<1x128x128xf32, #tpu.memory_space<vmem>> -> memref<128x128xf32, #tpu.memory_space<vmem>>
      tpu.enqueue_dma source(%dma_start3A_247 : memref<128x128xf32, #tpu.memory_space<vmem>>) target(%dma_start3A_243 : memref<128x128xf32, #tpu.memory_space<hbm>>) target_semaphore(%dma_start3A_241 : memref<!tpu.dma_semaphore, #tpu.memory_space<semaphore_mem>>)
      %ge3A = arith.constant 1 : i32
      %ge3A_248 = arith.cmpi sge, %add3A_210, %ge3A : i32
      %convert_element_type3A = arith.extui %ge3A_248 : i1 to i32
      %cond3A = arith.constant 0 : i32
      %cond3A_249 = arith.cmpi ne, %convert_element_type3A, %cond3A : i32
      scf.if %cond3A_249 {
        %sub3A_522 = arith.constant 1 : i32
        %sub3A_523 = arith.subi %add3A_210, %sub3A_522 : i32
        %mul3A_524 = arith.constant 128 : i32
        %mul3A_525 = arith.muli %sub3A_523, %mul3A_524 : i32
        %add3A_526 = arith.addi %mul3A_6, %mul3A_525 : i32
        %dma_wait3A_527 = arith.constant 5 : i32
        %dma_wait3A_528 = arith.constant 5 : i32
        %dma_wait3A_529 = arith.constant 0 : i32
        %dma_wait3A_530 = arith.constant 0 : i32
        %dma_wait3A_531 = tpu.memref_slice %arg6[%dma_wait3A_527, %dma_wait3A_529, %dma_wait3A_530] : memref<6x128x128xf32, #tpu.memory_space<vmem>> -> memref<1x128x128xf32, #tpu.memory_space<vmem>>
        %dma_wait3A_532 = tpu.memref_squeeze %dma_wait3A_531 : memref<1x128x128xf32, #tpu.memory_space<vmem>> -> memref<128x128xf32, #tpu.memory_space<vmem>>
        %dma_wait3A_533 = arith.constant 0 : i32
        %dma_wait3A_534 = tpu.memref_slice %arg4[%add3A_526, %dma_wait3A_533] : memref<819200x128xf32, #tpu.memory_space<hbm>> -> memref<128x128xf32, #tpu.memory_space<hbm>>
        %dma_wait3A_535 = tpu.memref_slice %arg8[%dma_wait3A_528] : memref<6x!tpu.dma_semaphore, #tpu.memory_space<semaphore_mem>> -> memref<1x!tpu.dma_semaphore, #tpu.memory_space<semaphore_mem>>
        %dma_wait3A_536 = tpu.memref_squeeze %dma_wait3A_535 : memref<1x!tpu.dma_semaphore, #tpu.memory_space<semaphore_mem>> -> memref<!tpu.dma_semaphore, #tpu.memory_space<semaphore_mem>>
        %dma_wait3A_537 = arith.constant 0 : i32
        %dma_wait3A_538 = tpu.memref_slice %arg4[%add3A_526, %dma_wait3A_537] : memref<819200x128xf32, #tpu.memory_space<hbm>> -> memref<128x128xf32, #tpu.memory_space<hbm>>
        %dma_wait3A_539 = arith.constant 0 : i32
        %dma_wait3A_540 = arith.constant 0 : i32
        %dma_wait3A_541 = tpu.memref_slice %arg6[%dma_wait3A_527, %dma_wait3A_539, %dma_wait3A_540] : memref<6x128x128xf32, #tpu.memory_space<vmem>> -> memref<1x128x128xf32, #tpu.memory_space<vmem>>
        %dma_wait3A_542 = tpu.memref_squeeze %dma_wait3A_541 : memref<1x128x128xf32, #tpu.memory_space<vmem>> -> memref<128x128xf32, #tpu.memory_space<vmem>>
        tpu.wait_dma2 semaphore(%dma_wait3A_536 : memref<!tpu.dma_semaphore, #tpu.memory_space<semaphore_mem>>) src(%dma_wait3A_542 : memref<128x128xf32, #tpu.memory_space<vmem>>) dst(%dma_wait3A_538 : memref<128x128xf32, #tpu.memory_space<hbm>>)
      } else {
      }
      %add3A_250 = arith.constant 6 : i32
      %add3A_251 = arith.addi %add3A_210, %add3A_250 : i32
      %sub3A = arith.constant 1 : i32
      %sub3A_252 = arith.subi %add3A_251, %sub3A : i32
      %lt3A = arith.constant 200 : i32
      %lt3A_253 = arith.cmpi slt, %sub3A_252, %lt3A : i32
      %convert_element_type3A_254 = arith.extui %lt3A_253 : i1 to i32
      %cond3A_255 = arith.constant 0 : i32
      %cond3A_256 = arith.cmpi ne, %convert_element_type3A_254, %cond3A_255 : i32
      scf.if %cond3A_256 {
        %add3A_522 = arith.constant 6 : i32
        %add3A_523 = arith.addi %add3A_210, %add3A_522 : i32
        %sub3A_524 = arith.constant 1 : i32
        %sub3A_525 = arith.subi %add3A_523, %sub3A_524 : i32
        %mul3A_526 = arith.constant 1 : i32
        %mul3A_527 = arith.muli %sub3A_525, %mul3A_526 : i32
        %add3A_528 = arith.constant 0 : i32
        %add3A_529 = arith.addi %mul3A_527, %add3A_528 : i32
        %dma_start3A_530 = arith.constant 5 : i32
        %dma_start3A_531 = arith.constant 5 : i32
        %dma_start3A_532 = arith.constant 0 : i32
        %dma_start3A_533 = arith.constant 0 : i32
        %dma_start3A_534 = tpu.memref_slice %arg6[%dma_start3A_530, %dma_start3A_532, %dma_start3A_533] : memref<6x128x128xf32, #tpu.memory_space<vmem>> -> memref<1x128x128xf32, #tpu.memory_space<vmem>>
        %dma_start3A_535 = tpu.memref_squeeze %dma_start3A_534 : memref<1x128x128xf32, #tpu.memory_space<vmem>> -> memref<128x128xf32, #tpu.memory_space<vmem>>
        %dma_start3A_536 = arith.constant 0 : i32
        %dma_start3A_537 = tpu.memref_slice %arg5[%add3A_529, %dma_start3A_536] : memref<200x128xi32, #tpu.memory_space<vmem>> -> memref<1x128xi32, #tpu.memory_space<vmem>>
        %dma_start3A_538 = tpu.memref_squeeze %dma_start3A_537 : memref<1x128xi32, #tpu.memory_space<vmem>> -> memref<128xi32, #tpu.memory_space<vmem>>
        %dma_start3A_539 = arith.constant 0 : i32
        %dma_start3A_540 = arith.constant 0 : i32
        %dma_start3A_541 = tpu.memref_slice %arg2[%dma_start3A_539, %dma_start3A_540] : memref<100000x128xf32, #tpu.memory_space<hbm>> -> memref<100000x128xf32, #tpu.memory_space<hbm>>
        %dma_start3A_542 = tpu.memref_slice %arg7[%dma_start3A_531] : memref<6x!tpu.dma_semaphore, #tpu.memory_space<semaphore_mem>> -> memref<1x!tpu.dma_semaphore, #tpu.memory_space<semaphore_mem>>
        %dma_start3A_543 = tpu.memref_squeeze %dma_start3A_542 : memref<1x!tpu.dma_semaphore, #tpu.memory_space<semaphore_mem>> -> memref<!tpu.dma_semaphore, #tpu.memory_space<semaphore_mem>>
        tpu.enqueue_indirect_dma source(%dma_start3A_541 : memref<100000x128xf32, #tpu.memory_space<hbm>>) target(%dma_start3A_535 : memref<128x128xf32, #tpu.memory_space<vmem>>) offsets(%dma_start3A_538 : memref<128xi32, #tpu.memory_space<vmem>>) semaphore(%dma_start3A_543 : memref<!tpu.dma_semaphore, #tpu.memory_space<semaphore_mem>>)
      } else {
      }
      %add3A_257 = arith.constant 1 : i32
      %add3A_258 = arith.addi %add3A_208, %add3A_257 : i32
      %mul3A_259 = arith.constant 1 : i32
      %mul3A_260 = arith.muli %add3A_258, %mul3A_259 : i32
      %add3A_261 = arith.constant 0 : i32
      %add3A_262 = arith.addi %mul3A_260, %add3A_261 : i32
      %dma_wait3A_263 = arith.constant 1 : i32
      %dma_wait3A_264 = arith.constant 1 : i32
      %dma_wait3A_265 = arith.constant 0 : i32
      %dma_wait3A_266 = arith.constant 0 : i32
      %dma_wait3A_267 = tpu.memref_slice %arg6[%dma_wait3A_263, %dma_wait3A_265, %dma_wait3A_266] : memref<6x128x128xf32, #tpu.memory_space<vmem>> -> memref<1x128x128xf32, #tpu.memory_space<vmem>>
      %dma_wait3A_268 = tpu.memref_squeeze %dma_wait3A_267 : memref<1x128x128xf32, #tpu.memory_space<vmem>> -> memref<128x128xf32, #tpu.memory_space<vmem>>
      %dma_wait3A_269 = arith.constant 0 : i32
      %dma_wait3A_270 = tpu.memref_slice %arg5[%add3A_262, %dma_wait3A_269] : memref<200x128xi32, #tpu.memory_space<vmem>> -> memref<1x128xi32, #tpu.memory_space<vmem>>
      %dma_wait3A_271 = tpu.memref_squeeze %dma_wait3A_270 : memref<1x128xi32, #tpu.memory_space<vmem>> -> memref<128xi32, #tpu.memory_space<vmem>>
      %dma_wait3A_272 = arith.constant 0 : i32
      %dma_wait3A_273 = arith.constant 0 : i32
      %dma_wait3A_274 = tpu.memref_slice %arg2[%dma_wait3A_272, %dma_wait3A_273] : memref<100000x128xf32, #tpu.memory_space<hbm>> -> memref<100000x128xf32, #tpu.memory_space<hbm>>
      %dma_wait3A_275 = tpu.memref_slice %arg7[%dma_wait3A_264] : memref<6x!tpu.dma_semaphore, #tpu.memory_space<semaphore_mem>> -> memref<1x!tpu.dma_semaphore, #tpu.memory_space<semaphore_mem>>
      %dma_wait3A_276 = tpu.memref_squeeze %dma_wait3A_275 : memref<1x!tpu.dma_semaphore, #tpu.memory_space<semaphore_mem>> -> memref<!tpu.dma_semaphore, #tpu.memory_space<semaphore_mem>>
      tpu.wait_indirect_dma semaphore(%dma_wait3A_276 : memref<!tpu.dma_semaphore, #tpu.memory_space<semaphore_mem>>) src(%dma_wait3A_274 : memref<100000x128xf32, #tpu.memory_space<hbm>>) dst(%dma_wait3A_268 : memref<128x128xf32, #tpu.memory_space<vmem>>)
      %mul3A_277 = arith.constant 128 : i32
      %mul3A_278 = arith.muli %add3A_258, %mul3A_277 : i32
      %add3A_279 = arith.addi %mul3A_6, %mul3A_278 : i32
      %dma_start3A_280 = arith.constant 1 : i32
      %dma_start3A_281 = arith.constant 1 : i32
      %dma_start3A_282 = arith.constant 0 : i32
      %dma_start3A_283 = arith.constant 0 : i32
      %dma_start3A_284 = tpu.memref_slice %arg6[%dma_start3A_280, %dma_start3A_282, %dma_start3A_283] : memref<6x128x128xf32, #tpu.memory_space<vmem>> -> memref<1x128x128xf32, #tpu.memory_space<vmem>>
      %dma_start3A_285 = tpu.memref_squeeze %dma_start3A_284 : memref<1x128x128xf32, #tpu.memory_space<vmem>> -> memref<128x128xf32, #tpu.memory_space<vmem>>
      %dma_start3A_286 = arith.constant 0 : i32
      %dma_start3A_287 = tpu.memref_slice %arg4[%add3A_279, %dma_start3A_286] : memref<819200x128xf32, #tpu.memory_space<hbm>> -> memref<128x128xf32, #tpu.memory_space<hbm>>
      %dma_start3A_288 = tpu.memref_slice %arg8[%dma_start3A_281] : memref<6x!tpu.dma_semaphore, #tpu.memory_space<semaphore_mem>> -> memref<1x!tpu.dma_semaphore, #tpu.memory_space<semaphore_mem>>
      %dma_start3A_289 = tpu.memref_squeeze %dma_start3A_288 : memref<1x!tpu.dma_semaphore, #tpu.memory_space<semaphore_mem>> -> memref<!tpu.dma_semaphore, #tpu.memory_space<semaphore_mem>>
      %dma_start3A_290 = arith.constant 0 : i32
      %dma_start3A_291 = tpu.memref_slice %arg4[%add3A_279, %dma_start3A_290] : memref<819200x128xf32, #tpu.memory_space<hbm>> -> memref<128x128xf32, #tpu.memory_space<hbm>>
      %dma_start3A_292 = arith.constant 0 : i32
      %dma_start3A_293 = arith.constant 0 : i32
      %dma_start3A_294 = tpu.memref_slice %arg6[%dma_start3A_280, %dma_start3A_292, %dma_start3A_293] : memref<6x128x128xf32, #tpu.memory_space<vmem>> -> memref<1x128x128xf32, #tpu.memory_space<vmem>>
      %dma_start3A_295 = tpu.memref_squeeze %dma_start3A_294 : memref<1x128x128xf32, #tpu.memory_space<vmem>> -> memref<128x128xf32, #tpu.memory_space<vmem>>
      tpu.enqueue_dma source(%dma_start3A_295 : memref<128x128xf32, #tpu.memory_space<vmem>>) target(%dma_start3A_291 : memref<128x128xf32, #tpu.memory_space<hbm>>) target_semaphore(%dma_start3A_289 : memref<!tpu.dma_semaphore, #tpu.memory_space<semaphore_mem>>)
      %ge3A_296 = arith.constant 1 : i32
      %ge3A_297 = arith.cmpi sge, %add3A_258, %ge3A_296 : i32
      %convert_element_type3A_298 = arith.extui %ge3A_297 : i1 to i32
      %cond3A_299 = arith.constant 0 : i32
      %cond3A_300 = arith.cmpi ne, %convert_element_type3A_298, %cond3A_299 : i32
      scf.if %cond3A_300 {
        %sub3A_522 = arith.constant 1 : i32
        %sub3A_523 = arith.subi %add3A_258, %sub3A_522 : i32
        %mul3A_524 = arith.constant 128 : i32
        %mul3A_525 = arith.muli %sub3A_523, %mul3A_524 : i32
        %add3A_526 = arith.addi %mul3A_6, %mul3A_525 : i32
        %dma_wait3A_527 = arith.constant 0 : i32
        %dma_wait3A_528 = arith.constant 0 : i32
        %dma_wait3A_529 = arith.constant 0 : i32
        %dma_wait3A_530 = arith.constant 0 : i32
        %dma_wait3A_531 = tpu.memref_slice %arg6[%dma_wait3A_527, %dma_wait3A_529, %dma_wait3A_530] : memref<6x128x128xf32, #tpu.memory_space<vmem>> -> memref<1x128x128xf32, #tpu.memory_space<vmem>>
        %dma_wait3A_532 = tpu.memref_squeeze %dma_wait3A_531 : memref<1x128x128xf32, #tpu.memory_space<vmem>> -> memref<128x128xf32, #tpu.memory_space<vmem>>
        %dma_wait3A_533 = arith.constant 0 : i32
        %dma_wait3A_534 = tpu.memref_slice %arg4[%add3A_526, %dma_wait3A_533] : memref<819200x128xf32, #tpu.memory_space<hbm>> -> memref<128x128xf32, #tpu.memory_space<hbm>>
        %dma_wait3A_535 = tpu.memref_slice %arg8[%dma_wait3A_528] : memref<6x!tpu.dma_semaphore, #tpu.memory_space<semaphore_mem>> -> memref<1x!tpu.dma_semaphore, #tpu.memory_space<semaphore_mem>>
        %dma_wait3A_536 = tpu.memref_squeeze %dma_wait3A_535 : memref<1x!tpu.dma_semaphore, #tpu.memory_space<semaphore_mem>> -> memref<!tpu.dma_semaphore, #tpu.memory_space<semaphore_mem>>
        %dma_wait3A_537 = arith.constant 0 : i32
        %dma_wait3A_538 = tpu.memref_slice %arg4[%add3A_526, %dma_wait3A_537] : memref<819200x128xf32, #tpu.memory_space<hbm>> -> memref<128x128xf32, #tpu.memory_space<hbm>>
        %dma_wait3A_539 = arith.constant 0 : i32
        %dma_wait3A_540 = arith.constant 0 : i32
        %dma_wait3A_541 = tpu.memref_slice %arg6[%dma_wait3A_527, %dma_wait3A_539, %dma_wait3A_540] : memref<6x128x128xf32, #tpu.memory_space<vmem>> -> memref<1x128x128xf32, #tpu.memory_space<vmem>>
        %dma_wait3A_542 = tpu.memref_squeeze %dma_wait3A_541 : memref<1x128x128xf32, #tpu.memory_space<vmem>> -> memref<128x128xf32, #tpu.memory_space<vmem>>
        tpu.wait_dma2 semaphore(%dma_wait3A_536 : memref<!tpu.dma_semaphore, #tpu.memory_space<semaphore_mem>>) src(%dma_wait3A_542 : memref<128x128xf32, #tpu.memory_space<vmem>>) dst(%dma_wait3A_538 : memref<128x128xf32, #tpu.memory_space<hbm>>)
      } else {
      }
      %add3A_301 = arith.constant 6 : i32
      %add3A_302 = arith.addi %add3A_258, %add3A_301 : i32
      %sub3A_303 = arith.constant 1 : i32
      %sub3A_304 = arith.subi %add3A_302, %sub3A_303 : i32
      %lt3A_305 = arith.constant 200 : i32
      %lt3A_306 = arith.cmpi slt, %sub3A_304, %lt3A_305 : i32
      %convert_element_type3A_307 = arith.extui %lt3A_306 : i1 to i32
      %cond3A_308 = arith.constant 0 : i32
      %cond3A_309 = arith.cmpi ne, %convert_element_type3A_307, %cond3A_308 : i32
      scf.if %cond3A_309 {
        %add3A_522 = arith.constant 6 : i32
        %add3A_523 = arith.addi %add3A_258, %add3A_522 : i32
        %sub3A_524 = arith.constant 1 : i32
        %sub3A_525 = arith.subi %add3A_523, %sub3A_524 : i32
        %mul3A_526 = arith.constant 1 : i32
        %mul3A_527 = arith.muli %sub3A_525, %mul3A_526 : i32
        %add3A_528 = arith.constant 0 : i32
        %add3A_529 = arith.addi %mul3A_527, %add3A_528 : i32
        %dma_start3A_530 = arith.constant 0 : i32
        %dma_start3A_531 = arith.constant 0 : i32
        %dma_start3A_532 = arith.constant 0 : i32
        %dma_start3A_533 = arith.constant 0 : i32
        %dma_start3A_534 = tpu.memref_slice %arg6[%dma_start3A_530, %dma_start3A_532, %dma_start3A_533] : memref<6x128x128xf32, #tpu.memory_space<vmem>> -> memref<1x128x128xf32, #tpu.memory_space<vmem>>
        %dma_start3A_535 = tpu.memref_squeeze %dma_start3A_534 : memref<1x128x128xf32, #tpu.memory_space<vmem>> -> memref<128x128xf32, #tpu.memory_space<vmem>>
        %dma_start3A_536 = arith.constant 0 : i32
        %dma_start3A_537 = tpu.memref_slice %arg5[%add3A_529, %dma_start3A_536] : memref<200x128xi32, #tpu.memory_space<vmem>> -> memref<1x128xi32, #tpu.memory_space<vmem>>
        %dma_start3A_538 = tpu.memref_squeeze %dma_start3A_537 : memref<1x128xi32, #tpu.memory_space<vmem>> -> memref<128xi32, #tpu.memory_space<vmem>>
        %dma_start3A_539 = arith.constant 0 : i32
        %dma_start3A_540 = arith.constant 0 : i32
        %dma_start3A_541 = tpu.memref_slice %arg2[%dma_start3A_539, %dma_start3A_540] : memref<100000x128xf32, #tpu.memory_space<hbm>> -> memref<100000x128xf32, #tpu.memory_space<hbm>>
        %dma_start3A_542 = tpu.memref_slice %arg7[%dma_start3A_531] : memref<6x!tpu.dma_semaphore, #tpu.memory_space<semaphore_mem>> -> memref<1x!tpu.dma_semaphore, #tpu.memory_space<semaphore_mem>>
        %dma_start3A_543 = tpu.memref_squeeze %dma_start3A_542 : memref<1x!tpu.dma_semaphore, #tpu.memory_space<semaphore_mem>> -> memref<!tpu.dma_semaphore, #tpu.memory_space<semaphore_mem>>
        tpu.enqueue_indirect_dma source(%dma_start3A_541 : memref<100000x128xf32, #tpu.memory_space<hbm>>) target(%dma_start3A_535 : memref<128x128xf32, #tpu.memory_space<vmem>>) offsets(%dma_start3A_538 : memref<128xi32, #tpu.memory_space<vmem>>) semaphore(%dma_start3A_543 : memref<!tpu.dma_semaphore, #tpu.memory_space<semaphore_mem>>)
      } else {
      }
      %add3A_310 = arith.constant 2 : i32
      %add3A_311 = arith.addi %add3A_208, %add3A_310 : i32
      %mul3A_312 = arith.constant 1 : i32
      %mul3A_313 = arith.muli %add3A_311, %mul3A_312 : i32
      %add3A_314 = arith.constant 0 : i32
      %add3A_315 = arith.addi %mul3A_313, %add3A_314 : i32
      %dma_wait3A_316 = arith.constant 2 : i32
      %dma_wait3A_317 = arith.constant 2 : i32
      %dma_wait3A_318 = arith.constant 0 : i32
      %dma_wait3A_319 = arith.constant 0 : i32
      %dma_wait3A_320 = tpu.memref_slice %arg6[%dma_wait3A_316, %dma_wait3A_318, %dma_wait3A_319] : memref<6x128x128xf32, #tpu.memory_space<vmem>> -> memref<1x128x128xf32, #tpu.memory_space<vmem>>
      %dma_wait3A_321 = tpu.memref_squeeze %dma_wait3A_320 : memref<1x128x128xf32, #tpu.memory_space<vmem>> -> memref<128x128xf32, #tpu.memory_space<vmem>>
      %dma_wait3A_322 = arith.constant 0 : i32
      %dma_wait3A_323 = tpu.memref_slice %arg5[%add3A_315, %dma_wait3A_322] : memref<200x128xi32, #tpu.memory_space<vmem>> -> memref<1x128xi32, #tpu.memory_space<vmem>>
      %dma_wait3A_324 = tpu.memref_squeeze %dma_wait3A_323 : memref<1x128xi32, #tpu.memory_space<vmem>> -> memref<128xi32, #tpu.memory_space<vmem>>
      %dma_wait3A_325 = arith.constant 0 : i32
      %dma_wait3A_326 = arith.constant 0 : i32
      %dma_wait3A_327 = tpu.memref_slice %arg2[%dma_wait3A_325, %dma_wait3A_326] : memref<100000x128xf32, #tpu.memory_space<hbm>> -> memref<100000x128xf32, #tpu.memory_space<hbm>>
      %dma_wait3A_328 = tpu.memref_slice %arg7[%dma_wait3A_317] : memref<6x!tpu.dma_semaphore, #tpu.memory_space<semaphore_mem>> -> memref<1x!tpu.dma_semaphore, #tpu.memory_space<semaphore_mem>>
      %dma_wait3A_329 = tpu.memref_squeeze %dma_wait3A_328 : memref<1x!tpu.dma_semaphore, #tpu.memory_space<semaphore_mem>> -> memref<!tpu.dma_semaphore, #tpu.memory_space<semaphore_mem>>
      tpu.wait_indirect_dma semaphore(%dma_wait3A_329 : memref<!tpu.dma_semaphore, #tpu.memory_space<semaphore_mem>>) src(%dma_wait3A_327 : memref<100000x128xf32, #tpu.memory_space<hbm>>) dst(%dma_wait3A_321 : memref<128x128xf32, #tpu.memory_space<vmem>>)
      %mul3A_330 = arith.constant 128 : i32
      %mul3A_331 = arith.muli %add3A_311, %mul3A_330 : i32
      %add3A_332 = arith.addi %mul3A_6, %mul3A_331 : i32
      %dma_start3A_333 = arith.constant 2 : i32
      %dma_start3A_334 = arith.constant 2 : i32
      %dma_start3A_335 = arith.constant 0 : i32
      %dma_start3A_336 = arith.constant 0 : i32
      %dma_start3A_337 = tpu.memref_slice %arg6[%dma_start3A_333, %dma_start3A_335, %dma_start3A_336] : memref<6x128x128xf32, #tpu.memory_space<vmem>> -> memref<1x128x128xf32, #tpu.memory_space<vmem>>
      %dma_start3A_338 = tpu.memref_squeeze %dma_start3A_337 : memref<1x128x128xf32, #tpu.memory_space<vmem>> -> memref<128x128xf32, #tpu.memory_space<vmem>>
      %dma_start3A_339 = arith.constant 0 : i32
      %dma_start3A_340 = tpu.memref_slice %arg4[%add3A_332, %dma_start3A_339] : memref<819200x128xf32, #tpu.memory_space<hbm>> -> memref<128x128xf32, #tpu.memory_space<hbm>>
      %dma_start3A_341 = tpu.memref_slice %arg8[%dma_start3A_334] : memref<6x!tpu.dma_semaphore, #tpu.memory_space<semaphore_mem>> -> memref<1x!tpu.dma_semaphore, #tpu.memory_space<semaphore_mem>>
      %dma_start3A_342 = tpu.memref_squeeze %dma_start3A_341 : memref<1x!tpu.dma_semaphore, #tpu.memory_space<semaphore_mem>> -> memref<!tpu.dma_semaphore, #tpu.memory_space<semaphore_mem>>
      %dma_start3A_343 = arith.constant 0 : i32
      %dma_start3A_344 = tpu.memref_slice %arg4[%add3A_332, %dma_start3A_343] : memref<819200x128xf32, #tpu.memory_space<hbm>> -> memref<128x128xf32, #tpu.memory_space<hbm>>
      %dma_start3A_345 = arith.constant 0 : i32
      %dma_start3A_346 = arith.constant 0 : i32
      %dma_start3A_347 = tpu.memref_slice %arg6[%dma_start3A_333, %dma_start3A_345, %dma_start3A_346] : memref<6x128x128xf32, #tpu.memory_space<vmem>> -> memref<1x128x128xf32, #tpu.memory_space<vmem>>
      %dma_start3A_348 = tpu.memref_squeeze %dma_start3A_347 : memref<1x128x128xf32, #tpu.memory_space<vmem>> -> memref<128x128xf32, #tpu.memory_space<vmem>>
      tpu.enqueue_dma source(%dma_start3A_348 : memref<128x128xf32, #tpu.memory_space<vmem>>) target(%dma_start3A_344 : memref<128x128xf32, #tpu.memory_space<hbm>>) target_semaphore(%dma_start3A_342 : memref<!tpu.dma_semaphore, #tpu.memory_space<semaphore_mem>>)
      %ge3A_349 = arith.constant 1 : i32
      %ge3A_350 = arith.cmpi sge, %add3A_311, %ge3A_349 : i32
      %convert_element_type3A_351 = arith.extui %ge3A_350 : i1 to i32
      %cond3A_352 = arith.constant 0 : i32
      %cond3A_353 = arith.cmpi ne, %convert_element_type3A_351, %cond3A_352 : i32
      scf.if %cond3A_353 {
        %sub3A_522 = arith.constant 1 : i32
        %sub3A_523 = arith.subi %add3A_311, %sub3A_522 : i32
        %mul3A_524 = arith.constant 128 : i32
        %mul3A_525 = arith.muli %sub3A_523, %mul3A_524 : i32
        %add3A_526 = arith.addi %mul3A_6, %mul3A_525 : i32
        %dma_wait3A_527 = arith.constant 1 : i32
        %dma_wait3A_528 = arith.constant 1 : i32
        %dma_wait3A_529 = arith.constant 0 : i32
        %dma_wait3A_530 = arith.constant 0 : i32
        %dma_wait3A_531 = tpu.memref_slice %arg6[%dma_wait3A_527, %dma_wait3A_529, %dma_wait3A_530] : memref<6x128x128xf32, #tpu.memory_space<vmem>> -> memref<1x128x128xf32, #tpu.memory_space<vmem>>
        %dma_wait3A_532 = tpu.memref_squeeze %dma_wait3A_531 : memref<1x128x128xf32, #tpu.memory_space<vmem>> -> memref<128x128xf32, #tpu.memory_space<vmem>>
        %dma_wait3A_533 = arith.constant 0 : i32
        %dma_wait3A_534 = tpu.memref_slice %arg4[%add3A_526, %dma_wait3A_533] : memref<819200x128xf32, #tpu.memory_space<hbm>> -> memref<128x128xf32, #tpu.memory_space<hbm>>
        %dma_wait3A_535 = tpu.memref_slice %arg8[%dma_wait3A_528] : memref<6x!tpu.dma_semaphore, #tpu.memory_space<semaphore_mem>> -> memref<1x!tpu.dma_semaphore, #tpu.memory_space<semaphore_mem>>
        %dma_wait3A_536 = tpu.memref_squeeze %dma_wait3A_535 : memref<1x!tpu.dma_semaphore, #tpu.memory_space<semaphore_mem>> -> memref<!tpu.dma_semaphore, #tpu.memory_space<semaphore_mem>>
        %dma_wait3A_537 = arith.constant 0 : i32
        %dma_wait3A_538 = tpu.memref_slice %arg4[%add3A_526, %dma_wait3A_537] : memref<819200x128xf32, #tpu.memory_space<hbm>> -> memref<128x128xf32, #tpu.memory_space<hbm>>
        %dma_wait3A_539 = arith.constant 0 : i32
        %dma_wait3A_540 = arith.constant 0 : i32
        %dma_wait3A_541 = tpu.memref_slice %arg6[%dma_wait3A_527, %dma_wait3A_539, %dma_wait3A_540] : memref<6x128x128xf32, #tpu.memory_space<vmem>> -> memref<1x128x128xf32, #tpu.memory_space<vmem>>
        %dma_wait3A_542 = tpu.memref_squeeze %dma_wait3A_541 : memref<1x128x128xf32, #tpu.memory_space<vmem>> -> memref<128x128xf32, #tpu.memory_space<vmem>>
        tpu.wait_dma2 semaphore(%dma_wait3A_536 : memref<!tpu.dma_semaphore, #tpu.memory_space<semaphore_mem>>) src(%dma_wait3A_542 : memref<128x128xf32, #tpu.memory_space<vmem>>) dst(%dma_wait3A_538 : memref<128x128xf32, #tpu.memory_space<hbm>>)
      } else {
      }
      %add3A_354 = arith.constant 6 : i32
      %add3A_355 = arith.addi %add3A_311, %add3A_354 : i32
      %sub3A_356 = arith.constant 1 : i32
      %sub3A_357 = arith.subi %add3A_355, %sub3A_356 : i32
      %lt3A_358 = arith.constant 200 : i32
      %lt3A_359 = arith.cmpi slt, %sub3A_357, %lt3A_358 : i32
      %convert_element_type3A_360 = arith.extui %lt3A_359 : i1 to i32
      %cond3A_361 = arith.constant 0 : i32
      %cond3A_362 = arith.cmpi ne, %convert_element_type3A_360, %cond3A_361 : i32
      scf.if %cond3A_362 {
        %add3A_522 = arith.constant 6 : i32
        %add3A_523 = arith.addi %add3A_311, %add3A_522 : i32
        %sub3A_524 = arith.constant 1 : i32
        %sub3A_525 = arith.subi %add3A_523, %sub3A_524 : i32
        %mul3A_526 = arith.constant 1 : i32
        %mul3A_527 = arith.muli %sub3A_525, %mul3A_526 : i32
        %add3A_528 = arith.constant 0 : i32
        %add3A_529 = arith.addi %mul3A_527, %add3A_528 : i32
        %dma_start3A_530 = arith.constant 1 : i32
        %dma_start3A_531 = arith.constant 1 : i32
        %dma_start3A_532 = arith.constant 0 : i32
        %dma_start3A_533 = arith.constant 0 : i32
        %dma_start3A_534 = tpu.memref_slice %arg6[%dma_start3A_530, %dma_start3A_532, %dma_start3A_533] : memref<6x128x128xf32, #tpu.memory_space<vmem>> -> memref<1x128x128xf32, #tpu.memory_space<vmem>>
        %dma_start3A_535 = tpu.memref_squeeze %dma_start3A_534 : memref<1x128x128xf32, #tpu.memory_space<vmem>> -> memref<128x128xf32, #tpu.memory_space<vmem>>
        %dma_start3A_536 = arith.constant 0 : i32
        %dma_start3A_537 = tpu.memref_slice %arg5[%add3A_529, %dma_start3A_536] : memref<200x128xi32, #tpu.memory_space<vmem>> -> memref<1x128xi32, #tpu.memory_space<vmem>>
        %dma_start3A_538 = tpu.memref_squeeze %dma_start3A_537 : memref<1x128xi32, #tpu.memory_space<vmem>> -> memref<128xi32, #tpu.memory_space<vmem>>
        %dma_start3A_539 = arith.constant 0 : i32
        %dma_start3A_540 = arith.constant 0 : i32
        %dma_start3A_541 = tpu.memref_slice %arg2[%dma_start3A_539, %dma_start3A_540] : memref<100000x128xf32, #tpu.memory_space<hbm>> -> memref<100000x128xf32, #tpu.memory_space<hbm>>
        %dma_start3A_542 = tpu.memref_slice %arg7[%dma_start3A_531] : memref<6x!tpu.dma_semaphore, #tpu.memory_space<semaphore_mem>> -> memref<1x!tpu.dma_semaphore, #tpu.memory_space<semaphore_mem>>
        %dma_start3A_543 = tpu.memref_squeeze %dma_start3A_542 : memref<1x!tpu.dma_semaphore, #tpu.memory_space<semaphore_mem>> -> memref<!tpu.dma_semaphore, #tpu.memory_space<semaphore_mem>>
        tpu.enqueue_indirect_dma source(%dma_start3A_541 : memref<100000x128xf32, #tpu.memory_space<hbm>>) target(%dma_start3A_535 : memref<128x128xf32, #tpu.memory_space<vmem>>) offsets(%dma_start3A_538 : memref<128xi32, #tpu.memory_space<vmem>>) semaphore(%dma_start3A_543 : memref<!tpu.dma_semaphore, #tpu.memory_space<semaphore_mem>>)
      } else {
      }
      %add3A_363 = arith.constant 3 : i32
      %add3A_364 = arith.addi %add3A_208, %add3A_363 : i32
      %mul3A_365 = arith.constant 1 : i32
      %mul3A_366 = arith.muli %add3A_364, %mul3A_365 : i32
      %add3A_367 = arith.constant 0 : i32
      %add3A_368 = arith.addi %mul3A_366, %add3A_367 : i32
      %dma_wait3A_369 = arith.constant 3 : i32
      %dma_wait3A_370 = arith.constant 3 : i32
      %dma_wait3A_371 = arith.constant 0 : i32
      %dma_wait3A_372 = arith.constant 0 : i32
      %dma_wait3A_373 = tpu.memref_slice %arg6[%dma_wait3A_369, %dma_wait3A_371, %dma_wait3A_372] : memref<6x128x128xf32, #tpu.memory_space<vmem>> -> memref<1x128x128xf32, #tpu.memory_space<vmem>>
      %dma_wait3A_374 = tpu.memref_squeeze %dma_wait3A_373 : memref<1x128x128xf32, #tpu.memory_space<vmem>> -> memref<128x128xf32, #tpu.memory_space<vmem>>
      %dma_wait3A_375 = arith.constant 0 : i32
      %dma_wait3A_376 = tpu.memref_slice %arg5[%add3A_368, %dma_wait3A_375] : memref<200x128xi32, #tpu.memory_space<vmem>> -> memref<1x128xi32, #tpu.memory_space<vmem>>
      %dma_wait3A_377 = tpu.memref_squeeze %dma_wait3A_376 : memref<1x128xi32, #tpu.memory_space<vmem>> -> memref<128xi32, #tpu.memory_space<vmem>>
      %dma_wait3A_378 = arith.constant 0 : i32
      %dma_wait3A_379 = arith.constant 0 : i32
      %dma_wait3A_380 = tpu.memref_slice %arg2[%dma_wait3A_378, %dma_wait3A_379] : memref<100000x128xf32, #tpu.memory_space<hbm>> -> memref<100000x128xf32, #tpu.memory_space<hbm>>
      %dma_wait3A_381 = tpu.memref_slice %arg7[%dma_wait3A_370] : memref<6x!tpu.dma_semaphore, #tpu.memory_space<semaphore_mem>> -> memref<1x!tpu.dma_semaphore, #tpu.memory_space<semaphore_mem>>
      %dma_wait3A_382 = tpu.memref_squeeze %dma_wait3A_381 : memref<1x!tpu.dma_semaphore, #tpu.memory_space<semaphore_mem>> -> memref<!tpu.dma_semaphore, #tpu.memory_space<semaphore_mem>>
      tpu.wait_indirect_dma semaphore(%dma_wait3A_382 : memref<!tpu.dma_semaphore, #tpu.memory_space<semaphore_mem>>) src(%dma_wait3A_380 : memref<100000x128xf32, #tpu.memory_space<hbm>>) dst(%dma_wait3A_374 : memref<128x128xf32, #tpu.memory_space<vmem>>)
      %mul3A_383 = arith.constant 128 : i32
      %mul3A_384 = arith.muli %add3A_364, %mul3A_383 : i32
      %add3A_385 = arith.addi %mul3A_6, %mul3A_384 : i32
      %dma_start3A_386 = arith.constant 3 : i32
      %dma_start3A_387 = arith.constant 3 : i32
      %dma_start3A_388 = arith.constant 0 : i32
      %dma_start3A_389 = arith.constant 0 : i32
      %dma_start3A_390 = tpu.memref_slice %arg6[%dma_start3A_386, %dma_start3A_388, %dma_start3A_389] : memref<6x128x128xf32, #tpu.memory_space<vmem>> -> memref<1x128x128xf32, #tpu.memory_space<vmem>>
      %dma_start3A_391 = tpu.memref_squeeze %dma_start3A_390 : memref<1x128x128xf32, #tpu.memory_space<vmem>> -> memref<128x128xf32, #tpu.memory_space<vmem>>
      %dma_start3A_392 = arith.constant 0 : i32
      %dma_start3A_393 = tpu.memref_slice %arg4[%add3A_385, %dma_start3A_392] : memref<819200x128xf32, #tpu.memory_space<hbm>> -> memref<128x128xf32, #tpu.memory_space<hbm>>
      %dma_start3A_394 = tpu.memref_slice %arg8[%dma_start3A_387] : memref<6x!tpu.dma_semaphore, #tpu.memory_space<semaphore_mem>> -> memref<1x!tpu.dma_semaphore, #tpu.memory_space<semaphore_mem>>
      %dma_start3A_395 = tpu.memref_squeeze %dma_start3A_394 : memref<1x!tpu.dma_semaphore, #tpu.memory_space<semaphore_mem>> -> memref<!tpu.dma_semaphore, #tpu.memory_space<semaphore_mem>>
      %dma_start3A_396 = arith.constant 0 : i32
      %dma_start3A_397 = tpu.memref_slice %arg4[%add3A_385, %dma_start3A_396] : memref<819200x128xf32, #tpu.memory_space<hbm>> -> memref<128x128xf32, #tpu.memory_space<hbm>>
      %dma_start3A_398 = arith.constant 0 : i32
      %dma_start3A_399 = arith.constant 0 : i32
      %dma_start3A_400 = tpu.memref_slice %arg6[%dma_start3A_386, %dma_start3A_398, %dma_start3A_399] : memref<6x128x128xf32, #tpu.memory_space<vmem>> -> memref<1x128x128xf32, #tpu.memory_space<vmem>>
      %dma_start3A_401 = tpu.memref_squeeze %dma_start3A_400 : memref<1x128x128xf32, #tpu.memory_space<vmem>> -> memref<128x128xf32, #tpu.memory_space<vmem>>
      tpu.enqueue_dma source(%dma_start3A_401 : memref<128x128xf32, #tpu.memory_space<vmem>>) target(%dma_start3A_397 : memref<128x128xf32, #tpu.memory_space<hbm>>) target_semaphore(%dma_start3A_395 : memref<!tpu.dma_semaphore, #tpu.memory_space<semaphore_mem>>)
      %ge3A_402 = arith.constant 1 : i32
      %ge3A_403 = arith.cmpi sge, %add3A_364, %ge3A_402 : i32
      %convert_element_type3A_404 = arith.extui %ge3A_403 : i1 to i32
      %cond3A_405 = arith.constant 0 : i32
      %cond3A_406 = arith.cmpi ne, %convert_element_type3A_404, %cond3A_405 : i32
      scf.if %cond3A_406 {
        %sub3A_522 = arith.constant 1 : i32
        %sub3A_523 = arith.subi %add3A_364, %sub3A_522 : i32
        %mul3A_524 = arith.constant 128 : i32
        %mul3A_525 = arith.muli %sub3A_523, %mul3A_524 : i32
        %add3A_526 = arith.addi %mul3A_6, %mul3A_525 : i32
        %dma_wait3A_527 = arith.constant 2 : i32
        %dma_wait3A_528 = arith.constant 2 : i32
        %dma_wait3A_529 = arith.constant 0 : i32
        %dma_wait3A_530 = arith.constant 0 : i32
        %dma_wait3A_531 = tpu.memref_slice %arg6[%dma_wait3A_527, %dma_wait3A_529, %dma_wait3A_530] : memref<6x128x128xf32, #tpu.memory_space<vmem>> -> memref<1x128x128xf32, #tpu.memory_space<vmem>>
        %dma_wait3A_532 = tpu.memref_squeeze %dma_wait3A_531 : memref<1x128x128xf32, #tpu.memory_space<vmem>> -> memref<128x128xf32, #tpu.memory_space<vmem>>
        %dma_wait3A_533 = arith.constant 0 : i32
        %dma_wait3A_534 = tpu.memref_slice %arg4[%add3A_526, %dma_wait3A_533] : memref<819200x128xf32, #tpu.memory_space<hbm>> -> memref<128x128xf32, #tpu.memory_space<hbm>>
        %dma_wait3A_535 = tpu.memref_slice %arg8[%dma_wait3A_528] : memref<6x!tpu.dma_semaphore, #tpu.memory_space<semaphore_mem>> -> memref<1x!tpu.dma_semaphore, #tpu.memory_space<semaphore_mem>>
        %dma_wait3A_536 = tpu.memref_squeeze %dma_wait3A_535 : memref<1x!tpu.dma_semaphore, #tpu.memory_space<semaphore_mem>> -> memref<!tpu.dma_semaphore, #tpu.memory_space<semaphore_mem>>
        %dma_wait3A_537 = arith.constant 0 : i32
        %dma_wait3A_538 = tpu.memref_slice %arg4[%add3A_526, %dma_wait3A_537] : memref<819200x128xf32, #tpu.memory_space<hbm>> -> memref<128x128xf32, #tpu.memory_space<hbm>>
        %dma_wait3A_539 = arith.constant 0 : i32
        %dma_wait3A_540 = arith.constant 0 : i32
        %dma_wait3A_541 = tpu.memref_slice %arg6[%dma_wait3A_527, %dma_wait3A_539, %dma_wait3A_540] : memref<6x128x128xf32, #tpu.memory_space<vmem>> -> memref<1x128x128xf32, #tpu.memory_space<vmem>>
        %dma_wait3A_542 = tpu.memref_squeeze %dma_wait3A_541 : memref<1x128x128xf32, #tpu.memory_space<vmem>> -> memref<128x128xf32, #tpu.memory_space<vmem>>
        tpu.wait_dma2 semaphore(%dma_wait3A_536 : memref<!tpu.dma_semaphore, #tpu.memory_space<semaphore_mem>>) src(%dma_wait3A_542 : memref<128x128xf32, #tpu.memory_space<vmem>>) dst(%dma_wait3A_538 : memref<128x128xf32, #tpu.memory_space<hbm>>)
      } else {
      }
      %add3A_407 = arith.constant 6 : i32
      %add3A_408 = arith.addi %add3A_364, %add3A_407 : i32
      %sub3A_409 = arith.constant 1 : i32
      %sub3A_410 = arith.subi %add3A_408, %sub3A_409 : i32
      %lt3A_411 = arith.constant 200 : i32
      %lt3A_412 = arith.cmpi slt, %sub3A_410, %lt3A_411 : i32
      %convert_element_type3A_413 = arith.extui %lt3A_412 : i1 to i32
      %cond3A_414 = arith.constant 0 : i32
      %cond3A_415 = arith.cmpi ne, %convert_element_type3A_413, %cond3A_414 : i32
      scf.if %cond3A_415 {
        %add3A_522 = arith.constant 6 : i32
        %add3A_523 = arith.addi %add3A_364, %add3A_522 : i32
        %sub3A_524 = arith.constant 1 : i32
        %sub3A_525 = arith.subi %add3A_523, %sub3A_524 : i32
        %mul3A_526 = arith.constant 1 : i32
        %mul3A_527 = arith.muli %sub3A_525, %mul3A_526 : i32
        %add3A_528 = arith.constant 0 : i32
        %add3A_529 = arith.addi %mul3A_527, %add3A_528 : i32
        %dma_start3A_530 = arith.constant 2 : i32
        %dma_start3A_531 = arith.constant 2 : i32
        %dma_start3A_532 = arith.constant 0 : i32
        %dma_start3A_533 = arith.constant 0 : i32
        %dma_start3A_534 = tpu.memref_slice %arg6[%dma_start3A_530, %dma_start3A_532, %dma_start3A_533] : memref<6x128x128xf32, #tpu.memory_space<vmem>> -> memref<1x128x128xf32, #tpu.memory_space<vmem>>
        %dma_start3A_535 = tpu.memref_squeeze %dma_start3A_534 : memref<1x128x128xf32, #tpu.memory_space<vmem>> -> memref<128x128xf32, #tpu.memory_space<vmem>>
        %dma_start3A_536 = arith.constant 0 : i32
        %dma_start3A_537 = tpu.memref_slice %arg5[%add3A_529, %dma_start3A_536] : memref<200x128xi32, #tpu.memory_space<vmem>> -> memref<1x128xi32, #tpu.memory_space<vmem>>
        %dma_start3A_538 = tpu.memref_squeeze %dma_start3A_537 : memref<1x128xi32, #tpu.memory_space<vmem>> -> memref<128xi32, #tpu.memory_space<vmem>>
        %dma_start3A_539 = arith.constant 0 : i32
        %dma_start3A_540 = arith.constant 0 : i32
        %dma_start3A_541 = tpu.memref_slice %arg2[%dma_start3A_539, %dma_start3A_540] : memref<100000x128xf32, #tpu.memory_space<hbm>> -> memref<100000x128xf32, #tpu.memory_space<hbm>>
        %dma_start3A_542 = tpu.memref_slice %arg7[%dma_start3A_531] : memref<6x!tpu.dma_semaphore, #tpu.memory_space<semaphore_mem>> -> memref<1x!tpu.dma_semaphore, #tpu.memory_space<semaphore_mem>>
        %dma_start3A_543 = tpu.memref_squeeze %dma_start3A_542 : memref<1x!tpu.dma_semaphore, #tpu.memory_space<semaphore_mem>> -> memref<!tpu.dma_semaphore, #tpu.memory_space<semaphore_mem>>
        tpu.enqueue_indirect_dma source(%dma_start3A_541 : memref<100000x128xf32, #tpu.memory_space<hbm>>) target(%dma_start3A_535 : memref<128x128xf32, #tpu.memory_space<vmem>>) offsets(%dma_start3A_538 : memref<128xi32, #tpu.memory_space<vmem>>) semaphore(%dma_start3A_543 : memref<!tpu.dma_semaphore, #tpu.memory_space<semaphore_mem>>)
      } else {
      }
      %add3A_416 = arith.constant 4 : i32
      %add3A_417 = arith.addi %add3A_208, %add3A_416 : i32
      %mul3A_418 = arith.constant 1 : i32
      %mul3A_419 = arith.muli %add3A_417, %mul3A_418 : i32
      %add3A_420 = arith.constant 0 : i32
      %add3A_421 = arith.addi %mul3A_419, %add3A_420 : i32
      %dma_wait3A_422 = arith.constant 4 : i32
      %dma_wait3A_423 = arith.constant 4 : i32
      %dma_wait3A_424 = arith.constant 0 : i32
      %dma_wait3A_425 = arith.constant 0 : i32
      %dma_wait3A_426 = tpu.memref_slice %arg6[%dma_wait3A_422, %dma_wait3A_424, %dma_wait3A_425] : memref<6x128x128xf32, #tpu.memory_space<vmem>> -> memref<1x128x128xf32, #tpu.memory_space<vmem>>
      %dma_wait3A_427 = tpu.memref_squeeze %dma_wait3A_426 : memref<1x128x128xf32, #tpu.memory_space<vmem>> -> memref<128x128xf32, #tpu.memory_space<vmem>>
      %dma_wait3A_428 = arith.constant 0 : i32
      %dma_wait3A_429 = tpu.memref_slice %arg5[%add3A_421, %dma_wait3A_428] : memref<200x128xi32, #tpu.memory_space<vmem>> -> memref<1x128xi32, #tpu.memory_space<vmem>>
      %dma_wait3A_430 = tpu.memref_squeeze %dma_wait3A_429 : memref<1x128xi32, #tpu.memory_space<vmem>> -> memref<128xi32, #tpu.memory_space<vmem>>
      %dma_wait3A_431 = arith.constant 0 : i32
      %dma_wait3A_432 = arith.constant 0 : i32
      %dma_wait3A_433 = tpu.memref_slice %arg2[%dma_wait3A_431, %dma_wait3A_432] : memref<100000x128xf32, #tpu.memory_space<hbm>> -> memref<100000x128xf32, #tpu.memory_space<hbm>>
      %dma_wait3A_434 = tpu.memref_slice %arg7[%dma_wait3A_423] : memref<6x!tpu.dma_semaphore, #tpu.memory_space<semaphore_mem>> -> memref<1x!tpu.dma_semaphore, #tpu.memory_space<semaphore_mem>>
      %dma_wait3A_435 = tpu.memref_squeeze %dma_wait3A_434 : memref<1x!tpu.dma_semaphore, #tpu.memory_space<semaphore_mem>> -> memref<!tpu.dma_semaphore, #tpu.memory_space<semaphore_mem>>
      tpu.wait_indirect_dma semaphore(%dma_wait3A_435 : memref<!tpu.dma_semaphore, #tpu.memory_space<semaphore_mem>>) src(%dma_wait3A_433 : memref<100000x128xf32, #tpu.memory_space<hbm>>) dst(%dma_wait3A_427 : memref<128x128xf32, #tpu.memory_space<vmem>>)
      %mul3A_436 = arith.constant 128 : i32
      %mul3A_437 = arith.muli %add3A_417, %mul3A_436 : i32
      %add3A_438 = arith.addi %mul3A_6, %mul3A_437 : i32
      %dma_start3A_439 = arith.constant 4 : i32
      %dma_start3A_440 = arith.constant 4 : i32
      %dma_start3A_441 = arith.constant 0 : i32
      %dma_start3A_442 = arith.constant 0 : i32
      %dma_start3A_443 = tpu.memref_slice %arg6[%dma_start3A_439, %dma_start3A_441, %dma_start3A_442] : memref<6x128x128xf32, #tpu.memory_space<vmem>> -> memref<1x128x128xf32, #tpu.memory_space<vmem>>
      %dma_start3A_444 = tpu.memref_squeeze %dma_start3A_443 : memref<1x128x128xf32, #tpu.memory_space<vmem>> -> memref<128x128xf32, #tpu.memory_space<vmem>>
      %dma_start3A_445 = arith.constant 0 : i32
      %dma_start3A_446 = tpu.memref_slice %arg4[%add3A_438, %dma_start3A_445] : memref<819200x128xf32, #tpu.memory_space<hbm>> -> memref<128x128xf32, #tpu.memory_space<hbm>>
      %dma_start3A_447 = tpu.memref_slice %arg8[%dma_start3A_440] : memref<6x!tpu.dma_semaphore, #tpu.memory_space<semaphore_mem>> -> memref<1x!tpu.dma_semaphore, #tpu.memory_space<semaphore_mem>>
      %dma_start3A_448 = tpu.memref_squeeze %dma_start3A_447 : memref<1x!tpu.dma_semaphore, #tpu.memory_space<semaphore_mem>> -> memref<!tpu.dma_semaphore, #tpu.memory_space<semaphore_mem>>
      %dma_start3A_449 = arith.constant 0 : i32
      %dma_start3A_450 = tpu.memref_slice %arg4[%add3A_438, %dma_start3A_449] : memref<819200x128xf32, #tpu.memory_space<hbm>> -> memref<128x128xf32, #tpu.memory_space<hbm>>
      %dma_start3A_451 = arith.constant 0 : i32
      %dma_start3A_452 = arith.constant 0 : i32
      %dma_start3A_453 = tpu.memref_slice %arg6[%dma_start3A_439, %dma_start3A_451, %dma_start3A_452] : memref<6x128x128xf32, #tpu.memory_space<vmem>> -> memref<1x128x128xf32, #tpu.memory_space<vmem>>
      %dma_start3A_454 = tpu.memref_squeeze %dma_start3A_453 : memref<1x128x128xf32, #tpu.memory_space<vmem>> -> memref<128x128xf32, #tpu.memory_space<vmem>>
      tpu.enqueue_dma source(%dma_start3A_454 : memref<128x128xf32, #tpu.memory_space<vmem>>) target(%dma_start3A_450 : memref<128x128xf32, #tpu.memory_space<hbm>>) target_semaphore(%dma_start3A_448 : memref<!tpu.dma_semaphore, #tpu.memory_space<semaphore_mem>>)
      %ge3A_455 = arith.constant 1 : i32
      %ge3A_456 = arith.cmpi sge, %add3A_417, %ge3A_455 : i32
      %convert_element_type3A_457 = arith.extui %ge3A_456 : i1 to i32
      %cond3A_458 = arith.constant 0 : i32
      %cond3A_459 = arith.cmpi ne, %convert_element_type3A_457, %cond3A_458 : i32
      scf.if %cond3A_459 {
        %sub3A_522 = arith.constant 1 : i32
        %sub3A_523 = arith.subi %add3A_417, %sub3A_522 : i32
        %mul3A_524 = arith.constant 128 : i32
        %mul3A_525 = arith.muli %sub3A_523, %mul3A_524 : i32
        %add3A_526 = arith.addi %mul3A_6, %mul3A_525 : i32
        %dma_wait3A_527 = arith.constant 3 : i32
        %dma_wait3A_528 = arith.constant 3 : i32
        %dma_wait3A_529 = arith.constant 0 : i32
        %dma_wait3A_530 = arith.constant 0 : i32
        %dma_wait3A_531 = tpu.memref_slice %arg6[%dma_wait3A_527, %dma_wait3A_529, %dma_wait3A_530] : memref<6x128x128xf32, #tpu.memory_space<vmem>> -> memref<1x128x128xf32, #tpu.memory_space<vmem>>
        %dma_wait3A_532 = tpu.memref_squeeze %dma_wait3A_531 : memref<1x128x128xf32, #tpu.memory_space<vmem>> -> memref<128x128xf32, #tpu.memory_space<vmem>>
        %dma_wait3A_533 = arith.constant 0 : i32
        %dma_wait3A_534 = tpu.memref_slice %arg4[%add3A_526, %dma_wait3A_533] : memref<819200x128xf32, #tpu.memory_space<hbm>> -> memref<128x128xf32, #tpu.memory_space<hbm>>
        %dma_wait3A_535 = tpu.memref_slice %arg8[%dma_wait3A_528] : memref<6x!tpu.dma_semaphore, #tpu.memory_space<semaphore_mem>> -> memref<1x!tpu.dma_semaphore, #tpu.memory_space<semaphore_mem>>
        %dma_wait3A_536 = tpu.memref_squeeze %dma_wait3A_535 : memref<1x!tpu.dma_semaphore, #tpu.memory_space<semaphore_mem>> -> memref<!tpu.dma_semaphore, #tpu.memory_space<semaphore_mem>>
        %dma_wait3A_537 = arith.constant 0 : i32
        %dma_wait3A_538 = tpu.memref_slice %arg4[%add3A_526, %dma_wait3A_537] : memref<819200x128xf32, #tpu.memory_space<hbm>> -> memref<128x128xf32, #tpu.memory_space<hbm>>
        %dma_wait3A_539 = arith.constant 0 : i32
        %dma_wait3A_540 = arith.constant 0 : i32
        %dma_wait3A_541 = tpu.memref_slice %arg6[%dma_wait3A_527, %dma_wait3A_539, %dma_wait3A_540] : memref<6x128x128xf32, #tpu.memory_space<vmem>> -> memref<1x128x128xf32, #tpu.memory_space<vmem>>
        %dma_wait3A_542 = tpu.memref_squeeze %dma_wait3A_541 : memref<1x128x128xf32, #tpu.memory_space<vmem>> -> memref<128x128xf32, #tpu.memory_space<vmem>>
        tpu.wait_dma2 semaphore(%dma_wait3A_536 : memref<!tpu.dma_semaphore, #tpu.memory_space<semaphore_mem>>) src(%dma_wait3A_542 : memref<128x128xf32, #tpu.memory_space<vmem>>) dst(%dma_wait3A_538 : memref<128x128xf32, #tpu.memory_space<hbm>>)
      } else {
      }
      %add3A_460 = arith.constant 6 : i32
      %add3A_461 = arith.addi %add3A_417, %add3A_460 : i32
      %sub3A_462 = arith.constant 1 : i32
      %sub3A_463 = arith.subi %add3A_461, %sub3A_462 : i32
      %lt3A_464 = arith.constant 200 : i32
      %lt3A_465 = arith.cmpi slt, %sub3A_463, %lt3A_464 : i32
      %convert_element_type3A_466 = arith.extui %lt3A_465 : i1 to i32
      %cond3A_467 = arith.constant 0 : i32
      %cond3A_468 = arith.cmpi ne, %convert_element_type3A_466, %cond3A_467 : i32
      scf.if %cond3A_468 {
        %add3A_522 = arith.constant 6 : i32
        %add3A_523 = arith.addi %add3A_417, %add3A_522 : i32
        %sub3A_524 = arith.constant 1 : i32
        %sub3A_525 = arith.subi %add3A_523, %sub3A_524 : i32
        %mul3A_526 = arith.constant 1 : i32
        %mul3A_527 = arith.muli %sub3A_525, %mul3A_526 : i32
        %add3A_528 = arith.constant 0 : i32
        %add3A_529 = arith.addi %mul3A_527, %add3A_528 : i32
        %dma_start3A_530 = arith.constant 3 : i32
        %dma_start3A_531 = arith.constant 3 : i32
        %dma_start3A_532 = arith.constant 0 : i32
        %dma_start3A_533 = arith.constant 0 : i32
        %dma_start3A_534 = tpu.memref_slice %arg6[%dma_start3A_530, %dma_start3A_532, %dma_start3A_533] : memref<6x128x128xf32, #tpu.memory_space<vmem>> -> memref<1x128x128xf32, #tpu.memory_space<vmem>>
        %dma_start3A_535 = tpu.memref_squeeze %dma_start3A_534 : memref<1x128x128xf32, #tpu.memory_space<vmem>> -> memref<128x128xf32, #tpu.memory_space<vmem>>
        %dma_start3A_536 = arith.constant 0 : i32
        %dma_start3A_537 = tpu.memref_slice %arg5[%add3A_529, %dma_start3A_536] : memref<200x128xi32, #tpu.memory_space<vmem>> -> memref<1x128xi32, #tpu.memory_space<vmem>>
        %dma_start3A_538 = tpu.memref_squeeze %dma_start3A_537 : memref<1x128xi32, #tpu.memory_space<vmem>> -> memref<128xi32, #tpu.memory_space<vmem>>
        %dma_start3A_539 = arith.constant 0 : i32
        %dma_start3A_540 = arith.constant 0 : i32
        %dma_start3A_541 = tpu.memref_slice %arg2[%dma_start3A_539, %dma_start3A_540] : memref<100000x128xf32, #tpu.memory_space<hbm>> -> memref<100000x128xf32, #tpu.memory_space<hbm>>
        %dma_start3A_542 = tpu.memref_slice %arg7[%dma_start3A_531] : memref<6x!tpu.dma_semaphore, #tpu.memory_space<semaphore_mem>> -> memref<1x!tpu.dma_semaphore, #tpu.memory_space<semaphore_mem>>
        %dma_start3A_543 = tpu.memref_squeeze %dma_start3A_542 : memref<1x!tpu.dma_semaphore, #tpu.memory_space<semaphore_mem>> -> memref<!tpu.dma_semaphore, #tpu.memory_space<semaphore_mem>>
        tpu.enqueue_indirect_dma source(%dma_start3A_541 : memref<100000x128xf32, #tpu.memory_space<hbm>>) target(%dma_start3A_535 : memref<128x128xf32, #tpu.memory_space<vmem>>) offsets(%dma_start3A_538 : memref<128xi32, #tpu.memory_space<vmem>>) semaphore(%dma_start3A_543 : memref<!tpu.dma_semaphore, #tpu.memory_space<semaphore_mem>>)
      } else {
      }
      %add3A_469 = arith.constant 5 : i32
      %add3A_470 = arith.addi %add3A_208, %add3A_469 : i32
      %mul3A_471 = arith.constant 1 : i32
      %mul3A_472 = arith.muli %add3A_470, %mul3A_471 : i32
      %add3A_473 = arith.constant 0 : i32
      %add3A_474 = arith.addi %mul3A_472, %add3A_473 : i32
      %dma_wait3A_475 = arith.constant 5 : i32
      %dma_wait3A_476 = arith.constant 5 : i32
      %dma_wait3A_477 = arith.constant 0 : i32
      %dma_wait3A_478 = arith.constant 0 : i32
      %dma_wait3A_479 = tpu.memref_slice %arg6[%dma_wait3A_475, %dma_wait3A_477, %dma_wait3A_478] : memref<6x128x128xf32, #tpu.memory_space<vmem>> -> memref<1x128x128xf32, #tpu.memory_space<vmem>>
      %dma_wait3A_480 = tpu.memref_squeeze %dma_wait3A_479 : memref<1x128x128xf32, #tpu.memory_space<vmem>> -> memref<128x128xf32, #tpu.memory_space<vmem>>
      %dma_wait3A_481 = arith.constant 0 : i32
      %dma_wait3A_482 = tpu.memref_slice %arg5[%add3A_474, %dma_wait3A_481] : memref<200x128xi32, #tpu.memory_space<vmem>> -> memref<1x128xi32, #tpu.memory_space<vmem>>
      %dma_wait3A_483 = tpu.memref_squeeze %dma_wait3A_482 : memref<1x128xi32, #tpu.memory_space<vmem>> -> memref<128xi32, #tpu.memory_space<vmem>>
      %dma_wait3A_484 = arith.constant 0 : i32
      %dma_wait3A_485 = arith.constant 0 : i32
      %dma_wait3A_486 = tpu.memref_slice %arg2[%dma_wait3A_484, %dma_wait3A_485] : memref<100000x128xf32, #tpu.memory_space<hbm>> -> memref<100000x128xf32, #tpu.memory_space<hbm>>
      %dma_wait3A_487 = tpu.memref_slice %arg7[%dma_wait3A_476] : memref<6x!tpu.dma_semaphore, #tpu.memory_space<semaphore_mem>> -> memref<1x!tpu.dma_semaphore, #tpu.memory_space<semaphore_mem>>
      %dma_wait3A_488 = tpu.memref_squeeze %dma_wait3A_487 : memref<1x!tpu.dma_semaphore, #tpu.memory_space<semaphore_mem>> -> memref<!tpu.dma_semaphore, #tpu.memory_space<semaphore_mem>>
      tpu.wait_indirect_dma semaphore(%dma_wait3A_488 : memref<!tpu.dma_semaphore, #tpu.memory_space<semaphore_mem>>) src(%dma_wait3A_486 : memref<100000x128xf32, #tpu.memory_space<hbm>>) dst(%dma_wait3A_480 : memref<128x128xf32, #tpu.memory_space<vmem>>)
      %mul3A_489 = arith.constant 128 : i32
      %mul3A_490 = arith.muli %add3A_470, %mul3A_489 : i32
      %add3A_491 = arith.addi %mul3A_6, %mul3A_490 : i32
      %dma_start3A_492 = arith.constant 5 : i32
      %dma_start3A_493 = arith.constant 5 : i32
      %dma_start3A_494 = arith.constant 0 : i32
      %dma_start3A_495 = arith.constant 0 : i32
      %dma_start3A_496 = tpu.memref_slice %arg6[%dma_start3A_492, %dma_start3A_494, %dma_start3A_495] : memref<6x128x128xf32, #tpu.memory_space<vmem>> -> memref<1x128x128xf32, #tpu.memory_space<vmem>>
      %dma_start3A_497 = tpu.memref_squeeze %dma_start3A_496 : memref<1x128x128xf32, #tpu.memory_space<vmem>> -> memref<128x128xf32, #tpu.memory_space<vmem>>
      %dma_start3A_498 = arith.constant 0 : i32
      %dma_start3A_499 = tpu.memref_slice %arg4[%add3A_491, %dma_start3A_498] : memref<819200x128xf32, #tpu.memory_space<hbm>> -> memref<128x128xf32, #tpu.memory_space<hbm>>
      %dma_start3A_500 = tpu.memref_slice %arg8[%dma_start3A_493] : memref<6x!tpu.dma_semaphore, #tpu.memory_space<semaphore_mem>> -> memref<1x!tpu.dma_semaphore, #tpu.memory_space<semaphore_mem>>
      %dma_start3A_501 = tpu.memref_squeeze %dma_start3A_500 : memref<1x!tpu.dma_semaphore, #tpu.memory_space<semaphore_mem>> -> memref<!tpu.dma_semaphore, #tpu.memory_space<semaphore_mem>>
      %dma_start3A_502 = arith.constant 0 : i32
      %dma_start3A_503 = tpu.memref_slice %arg4[%add3A_491, %dma_start3A_502] : memref<819200x128xf32, #tpu.memory_space<hbm>> -> memref<128x128xf32, #tpu.memory_space<hbm>>
      %dma_start3A_504 = arith.constant 0 : i32
      %dma_start3A_505 = arith.constant 0 : i32
      %dma_start3A_506 = tpu.memref_slice %arg6[%dma_start3A_492, %dma_start3A_504, %dma_start3A_505] : memref<6x128x128xf32, #tpu.memory_space<vmem>> -> memref<1x128x128xf32, #tpu.memory_space<vmem>>
      %dma_start3A_507 = tpu.memref_squeeze %dma_start3A_506 : memref<1x128x128xf32, #tpu.memory_space<vmem>> -> memref<128x128xf32, #tpu.memory_space<vmem>>
      tpu.enqueue_dma source(%dma_start3A_507 : memref<128x128xf32, #tpu.memory_space<vmem>>) target(%dma_start3A_503 : memref<128x128xf32, #tpu.memory_space<hbm>>) target_semaphore(%dma_start3A_501 : memref<!tpu.dma_semaphore, #tpu.memory_space<semaphore_mem>>)
      %ge3A_508 = arith.constant 1 : i32
      %ge3A_509 = arith.cmpi sge, %add3A_470, %ge3A_508 : i32
      %convert_element_type3A_510 = arith.extui %ge3A_509 : i1 to i32
      %cond3A_511 = arith.constant 0 : i32
      %cond3A_512 = arith.cmpi ne, %convert_element_type3A_510, %cond3A_511 : i32
      scf.if %cond3A_512 {
        %sub3A_522 = arith.constant 1 : i32
        %sub3A_523 = arith.subi %add3A_470, %sub3A_522 : i32
        %mul3A_524 = arith.constant 128 : i32
        %mul3A_525 = arith.muli %sub3A_523, %mul3A_524 : i32
        %add3A_526 = arith.addi %mul3A_6, %mul3A_525 : i32
        %dma_wait3A_527 = arith.constant 4 : i32
        %dma_wait3A_528 = arith.constant 4 : i32
        %dma_wait3A_529 = arith.constant 0 : i32
        %dma_wait3A_530 = arith.constant 0 : i32
        %dma_wait3A_531 = tpu.memref_slice %arg6[%dma_wait3A_527, %dma_wait3A_529, %dma_wait3A_530] : memref<6x128x128xf32, #tpu.memory_space<vmem>> -> memref<1x128x128xf32, #tpu.memory_space<vmem>>
        %dma_wait3A_532 = tpu.memref_squeeze %dma_wait3A_531 : memref<1x128x128xf32, #tpu.memory_space<vmem>> -> memref<128x128xf32, #tpu.memory_space<vmem>>
        %dma_wait3A_533 = arith.constant 0 : i32
        %dma_wait3A_534 = tpu.memref_slice %arg4[%add3A_526, %dma_wait3A_533] : memref<819200x128xf32, #tpu.memory_space<hbm>> -> memref<128x128xf32, #tpu.memory_space<hbm>>
        %dma_wait3A_535 = tpu.memref_slice %arg8[%dma_wait3A_528] : memref<6x!tpu.dma_semaphore, #tpu.memory_space<semaphore_mem>> -> memref<1x!tpu.dma_semaphore, #tpu.memory_space<semaphore_mem>>
        %dma_wait3A_536 = tpu.memref_squeeze %dma_wait3A_535 : memref<1x!tpu.dma_semaphore, #tpu.memory_space<semaphore_mem>> -> memref<!tpu.dma_semaphore, #tpu.memory_space<semaphore_mem>>
        %dma_wait3A_537 = arith.constant 0 : i32
        %dma_wait3A_538 = tpu.memref_slice %arg4[%add3A_526, %dma_wait3A_537] : memref<819200x128xf32, #tpu.memory_space<hbm>> -> memref<128x128xf32, #tpu.memory_space<hbm>>
        %dma_wait3A_539 = arith.constant 0 : i32
        %dma_wait3A_540 = arith.constant 0 : i32
        %dma_wait3A_541 = tpu.memref_slice %arg6[%dma_wait3A_527, %dma_wait3A_539, %dma_wait3A_540] : memref<6x128x128xf32, #tpu.memory_space<vmem>> -> memref<1x128x128xf32, #tpu.memory_space<vmem>>
        %dma_wait3A_542 = tpu.memref_squeeze %dma_wait3A_541 : memref<1x128x128xf32, #tpu.memory_space<vmem>> -> memref<128x128xf32, #tpu.memory_space<vmem>>
        tpu.wait_dma2 semaphore(%dma_wait3A_536 : memref<!tpu.dma_semaphore, #tpu.memory_space<semaphore_mem>>) src(%dma_wait3A_542 : memref<128x128xf32, #tpu.memory_space<vmem>>) dst(%dma_wait3A_538 : memref<128x128xf32, #tpu.memory_space<hbm>>)
      } else {
      }
      %add3A_513 = arith.constant 6 : i32
      %add3A_514 = arith.addi %add3A_470, %add3A_513 : i32
      %sub3A_515 = arith.constant 1 : i32
      %sub3A_516 = arith.subi %add3A_514, %sub3A_515 : i32
      %lt3A_517 = arith.constant 200 : i32
      %lt3A_518 = arith.cmpi slt, %sub3A_516, %lt3A_517 : i32
      %convert_element_type3A_519 = arith.extui %lt3A_518 : i1 to i32
      %cond3A_520 = arith.constant 0 : i32
      %cond3A_521 = arith.cmpi ne, %convert_element_type3A_519, %cond3A_520 : i32
      scf.if %cond3A_521 {
        %add3A_522 = arith.constant 6 : i32
        %add3A_523 = arith.addi %add3A_470, %add3A_522 : i32
        %sub3A_524 = arith.constant 1 : i32
        %sub3A_525 = arith.subi %add3A_523, %sub3A_524 : i32
        %mul3A_526 = arith.constant 1 : i32
        %mul3A_527 = arith.muli %sub3A_525, %mul3A_526 : i32
        %add3A_528 = arith.constant 0 : i32
        %add3A_529 = arith.addi %mul3A_527, %add3A_528 : i32
        %dma_start3A_530 = arith.constant 4 : i32
        %dma_start3A_531 = arith.constant 4 : i32
        %dma_start3A_532 = arith.constant 0 : i32
        %dma_start3A_533 = arith.constant 0 : i32
        %dma_start3A_534 = tpu.memref_slice %arg6[%dma_start3A_530, %dma_start3A_532, %dma_start3A_533] : memref<6x128x128xf32, #tpu.memory_space<vmem>> -> memref<1x128x128xf32, #tpu.memory_space<vmem>>
        %dma_start3A_535 = tpu.memref_squeeze %dma_start3A_534 : memref<1x128x128xf32, #tpu.memory_space<vmem>> -> memref<128x128xf32, #tpu.memory_space<vmem>>
        %dma_start3A_536 = arith.constant 0 : i32
        %dma_start3A_537 = tpu.memref_slice %arg5[%add3A_529, %dma_start3A_536] : memref<200x128xi32, #tpu.memory_space<vmem>> -> memref<1x128xi32, #tpu.memory_space<vmem>>
        %dma_start3A_538 = tpu.memref_squeeze %dma_start3A_537 : memref<1x128xi32, #tpu.memory_space<vmem>> -> memref<128xi32, #tpu.memory_space<vmem>>
        %dma_start3A_539 = arith.constant 0 : i32
        %dma_start3A_540 = arith.constant 0 : i32
        %dma_start3A_541 = tpu.memref_slice %arg2[%dma_start3A_539, %dma_start3A_540] : memref<100000x128xf32, #tpu.memory_space<hbm>> -> memref<100000x128xf32, #tpu.memory_space<hbm>>
        %dma_start3A_542 = tpu.memref_slice %arg7[%dma_start3A_531] : memref<6x!tpu.dma_semaphore, #tpu.memory_space<semaphore_mem>> -> memref<1x!tpu.dma_semaphore, #tpu.memory_space<semaphore_mem>>
        %dma_start3A_543 = tpu.memref_squeeze %dma_start3A_542 : memref<1x!tpu.dma_semaphore, #tpu.memory_space<semaphore_mem>> -> memref<!tpu.dma_semaphore, #tpu.memory_space<semaphore_mem>>
        tpu.enqueue_indirect_dma source(%dma_start3A_541 : memref<100000x128xf32, #tpu.memory_space<hbm>>) target(%dma_start3A_535 : memref<128x128xf32, #tpu.memory_space<vmem>>) offsets(%dma_start3A_538 : memref<128xi32, #tpu.memory_space<vmem>>) semaphore(%dma_start3A_543 : memref<!tpu.dma_semaphore, #tpu.memory_space<semaphore_mem>>)
      } else {
      }
    }
    %scan3A_84 = arith.constant 33 : i32
    %dma_wait3A = arith.constant 198 : i32
    %dma_wait3A_85 = arith.constant 0 : i32
    %dma_wait3A_86 = arith.constant 0 : i32
    %dma_wait3A_87 = arith.constant 0 : i32
    %dma_wait3A_88 = arith.constant 0 : i32
    %dma_wait3A_89 = tpu.memref_slice %arg6[%dma_wait3A_85, %dma_wait3A_87, %dma_wait3A_88] : memref<6x128x128xf32, #tpu.memory_space<vmem>> -> memref<1x128x128xf32, #tpu.memory_space<vmem>>
    %dma_wait3A_90 = tpu.memref_squeeze %dma_wait3A_89 : memref<1x128x128xf32, #tpu.memory_space<vmem>> -> memref<128x128xf32, #tpu.memory_space<vmem>>
    %dma_wait3A_91 = arith.constant 0 : i32
    %dma_wait3A_92 = tpu.memref_slice %arg5[%dma_wait3A, %dma_wait3A_91] : memref<200x128xi32, #tpu.memory_space<vmem>> -> memref<1x128xi32, #tpu.memory_space<vmem>>
    %dma_wait3A_93 = tpu.memref_squeeze %dma_wait3A_92 : memref<1x128xi32, #tpu.memory_space<vmem>> -> memref<128xi32, #tpu.memory_space<vmem>>
    %dma_wait3A_94 = arith.constant 0 : i32
    %dma_wait3A_95 = arith.constant 0 : i32
    %dma_wait3A_96 = tpu.memref_slice %arg2[%dma_wait3A_94, %dma_wait3A_95] : memref<100000x128xf32, #tpu.memory_space<hbm>> -> memref<100000x128xf32, #tpu.memory_space<hbm>>
    %dma_wait3A_97 = tpu.memref_slice %arg7[%dma_wait3A_86] : memref<6x!tpu.dma_semaphore, #tpu.memory_space<semaphore_mem>> -> memref<1x!tpu.dma_semaphore, #tpu.memory_space<semaphore_mem>>
    %dma_wait3A_98 = tpu.memref_squeeze %dma_wait3A_97 : memref<1x!tpu.dma_semaphore, #tpu.memory_space<semaphore_mem>> -> memref<!tpu.dma_semaphore, #tpu.memory_space<semaphore_mem>>
    tpu.wait_indirect_dma semaphore(%dma_wait3A_98 : memref<!tpu.dma_semaphore, #tpu.memory_space<semaphore_mem>>) src(%dma_wait3A_96 : memref<100000x128xf32, #tpu.memory_space<hbm>>) dst(%dma_wait3A_90 : memref<128x128xf32, #tpu.memory_space<vmem>>)
    %add3A_99 = arith.constant 25344 : i32
    %add3A_100 = arith.addi %mul3A_6, %add3A_99 : i32
    %dma_start3A_101 = arith.constant 0 : i32
    %dma_start3A_102 = arith.constant 0 : i32
    %dma_start3A_103 = arith.constant 0 : i32
    %dma_start3A_104 = arith.constant 0 : i32
    %dma_start3A_105 = tpu.memref_slice %arg6[%dma_start3A_101, %dma_start3A_103, %dma_start3A_104] : memref<6x128x128xf32, #tpu.memory_space<vmem>> -> memref<1x128x128xf32, #tpu.memory_space<vmem>>
    %dma_start3A_106 = tpu.memref_squeeze %dma_start3A_105 : memref<1x128x128xf32, #tpu.memory_space<vmem>> -> memref<128x128xf32, #tpu.memory_space<vmem>>
    %dma_start3A_107 = arith.constant 0 : i32
    %dma_start3A_108 = tpu.memref_slice %arg4[%add3A_100, %dma_start3A_107] : memref<819200x128xf32, #tpu.memory_space<hbm>> -> memref<128x128xf32, #tpu.memory_space<hbm>>
    %dma_start3A_109 = tpu.memref_slice %arg8[%dma_start3A_102] : memref<6x!tpu.dma_semaphore, #tpu.memory_space<semaphore_mem>> -> memref<1x!tpu.dma_semaphore, #tpu.memory_space<semaphore_mem>>
    %dma_start3A_110 = tpu.memref_squeeze %dma_start3A_109 : memref<1x!tpu.dma_semaphore, #tpu.memory_space<semaphore_mem>> -> memref<!tpu.dma_semaphore, #tpu.memory_space<semaphore_mem>>
    %dma_start3A_111 = arith.constant 0 : i32
    %dma_start3A_112 = tpu.memref_slice %arg4[%add3A_100, %dma_start3A_111] : memref<819200x128xf32, #tpu.memory_space<hbm>> -> memref<128x128xf32, #tpu.memory_space<hbm>>
    %dma_start3A_113 = arith.constant 0 : i32
    %dma_start3A_114 = arith.constant 0 : i32
    %dma_start3A_115 = tpu.memref_slice %arg6[%dma_start3A_101, %dma_start3A_113, %dma_start3A_114] : memref<6x128x128xf32, #tpu.memory_space<vmem>> -> memref<1x128x128xf32, #tpu.memory_space<vmem>>
    %dma_start3A_116 = tpu.memref_squeeze %dma_start3A_115 : memref<1x128x128xf32, #tpu.memory_space<vmem>> -> memref<128x128xf32, #tpu.memory_space<vmem>>
    tpu.enqueue_dma source(%dma_start3A_116 : memref<128x128xf32, #tpu.memory_space<vmem>>) target(%dma_start3A_112 : memref<128x128xf32, #tpu.memory_space<hbm>>) target_semaphore(%dma_start3A_110 : memref<!tpu.dma_semaphore, #tpu.memory_space<semaphore_mem>>)
    %add3A_117 = arith.constant 25216 : i32
    %add3A_118 = arith.addi %mul3A_6, %add3A_117 : i32
    %dma_wait3A_119 = arith.constant 5 : i32
    %dma_wait3A_120 = arith.constant 5 : i32
    %dma_wait3A_121 = arith.constant 0 : i32
    %dma_wait3A_122 = arith.constant 0 : i32
    %dma_wait3A_123 = tpu.memref_slice %arg6[%dma_wait3A_119, %dma_wait3A_121, %dma_wait3A_122] : memref<6x128x128xf32, #tpu.memory_space<vmem>> -> memref<1x128x128xf32, #tpu.memory_space<vmem>>
    %dma_wait3A_124 = tpu.memref_squeeze %dma_wait3A_123 : memref<1x128x128xf32, #tpu.memory_space<vmem>> -> memref<128x128xf32, #tpu.memory_space<vmem>>
    %dma_wait3A_125 = arith.constant 0 : i32
    %dma_wait3A_126 = tpu.memref_slice %arg4[%add3A_118, %dma_wait3A_125] : memref<819200x128xf32, #tpu.memory_space<hbm>> -> memref<128x128xf32, #tpu.memory_space<hbm>>
    %dma_wait3A_127 = tpu.memref_slice %arg8[%dma_wait3A_120] : memref<6x!tpu.dma_semaphore, #tpu.memory_space<semaphore_mem>> -> memref<1x!tpu.dma_semaphore, #tpu.memory_space<semaphore_mem>>
    %dma_wait3A_128 = tpu.memref_squeeze %dma_wait3A_127 : memref<1x!tpu.dma_semaphore, #tpu.memory_space<semaphore_mem>> -> memref<!tpu.dma_semaphore, #tpu.memory_space<semaphore_mem>>
    %dma_wait3A_129 = arith.constant 0 : i32
    %dma_wait3A_130 = tpu.memref_slice %arg4[%add3A_118, %dma_wait3A_129] : memref<819200x128xf32, #tpu.memory_space<hbm>> -> memref<128x128xf32, #tpu.memory_space<hbm>>
    %dma_wait3A_131 = arith.constant 0 : i32
    %dma_wait3A_132 = arith.constant 0 : i32
    %dma_wait3A_133 = tpu.memref_slice %arg6[%dma_wait3A_119, %dma_wait3A_131, %dma_wait3A_132] : memref<6x128x128xf32, #tpu.memory_space<vmem>> -> memref<1x128x128xf32, #tpu.memory_space<vmem>>
    %dma_wait3A_134 = tpu.memref_squeeze %dma_wait3A_133 : memref<1x128x128xf32, #tpu.memory_space<vmem>> -> memref<128x128xf32, #tpu.memory_space<vmem>>
    tpu.wait_dma2 semaphore(%dma_wait3A_128 : memref<!tpu.dma_semaphore, #tpu.memory_space<semaphore_mem>>) src(%dma_wait3A_134 : memref<128x128xf32, #tpu.memory_space<vmem>>) dst(%dma_wait3A_130 : memref<128x128xf32, #tpu.memory_space<hbm>>)
    %dma_wait3A_135 = arith.constant 199 : i32
    %dma_wait3A_136 = arith.constant 1 : i32
    %dma_wait3A_137 = arith.constant 1 : i32
    %dma_wait3A_138 = arith.constant 0 : i32
    %dma_wait3A_139 = arith.constant 0 : i32
    %dma_wait3A_140 = tpu.memref_slice %arg6[%dma_wait3A_136, %dma_wait3A_138, %dma_wait3A_139] : memref<6x128x128xf32, #tpu.memory_space<vmem>> -> memref<1x128x128xf32, #tpu.memory_space<vmem>>
    %dma_wait3A_141 = tpu.memref_squeeze %dma_wait3A_140 : memref<1x128x128xf32, #tpu.memory_space<vmem>> -> memref<128x128xf32, #tpu.memory_space<vmem>>
    %dma_wait3A_142 = arith.constant 0 : i32
    %dma_wait3A_143 = tpu.memref_slice %arg5[%dma_wait3A_135, %dma_wait3A_142] : memref<200x128xi32, #tpu.memory_space<vmem>> -> memref<1x128xi32, #tpu.memory_space<vmem>>
    %dma_wait3A_144 = tpu.memref_squeeze %dma_wait3A_143 : memref<1x128xi32, #tpu.memory_space<vmem>> -> memref<128xi32, #tpu.memory_space<vmem>>
    %dma_wait3A_145 = arith.constant 0 : i32
    %dma_wait3A_146 = arith.constant 0 : i32
    %dma_wait3A_147 = tpu.memref_slice %arg2[%dma_wait3A_145, %dma_wait3A_146] : memref<100000x128xf32, #tpu.memory_space<hbm>> -> memref<100000x128xf32, #tpu.memory_space<hbm>>
    %dma_wait3A_148 = tpu.memref_slice %arg7[%dma_wait3A_137] : memref<6x!tpu.dma_semaphore, #tpu.memory_space<semaphore_mem>> -> memref<1x!tpu.dma_semaphore, #tpu.memory_space<semaphore_mem>>
    %dma_wait3A_149 = tpu.memref_squeeze %dma_wait3A_148 : memref<1x!tpu.dma_semaphore, #tpu.memory_space<semaphore_mem>> -> memref<!tpu.dma_semaphore, #tpu.memory_space<semaphore_mem>>
    tpu.wait_indirect_dma semaphore(%dma_wait3A_149 : memref<!tpu.dma_semaphore, #tpu.memory_space<semaphore_mem>>) src(%dma_wait3A_147 : memref<100000x128xf32, #tpu.memory_space<hbm>>) dst(%dma_wait3A_141 : memref<128x128xf32, #tpu.memory_space<vmem>>)
    %add3A_150 = arith.constant 25472 : i32
    %add3A_151 = arith.addi %mul3A_6, %add3A_150 : i32
    %dma_start3A_152 = arith.constant 1 : i32
    %dma_start3A_153 = arith.constant 1 : i32
    %dma_start3A_154 = arith.constant 0 : i32
    %dma_start3A_155 = arith.constant 0 : i32
    %dma_start3A_156 = tpu.memref_slice %arg6[%dma_start3A_152, %dma_start3A_154, %dma_start3A_155] : memref<6x128x128xf32, #tpu.memory_space<vmem>> -> memref<1x128x128xf32, #tpu.memory_space<vmem>>
    %dma_start3A_157 = tpu.memref_squeeze %dma_start3A_156 : memref<1x128x128xf32, #tpu.memory_space<vmem>> -> memref<128x128xf32, #tpu.memory_space<vmem>>
    %dma_start3A_158 = arith.constant 0 : i32
    %dma_start3A_159 = tpu.memref_slice %arg4[%add3A_151, %dma_start3A_158] : memref<819200x128xf32, #tpu.memory_space<hbm>> -> memref<128x128xf32, #tpu.memory_space<hbm>>
    %dma_start3A_160 = tpu.memref_slice %arg8[%dma_start3A_153] : memref<6x!tpu.dma_semaphore, #tpu.memory_space<semaphore_mem>> -> memref<1x!tpu.dma_semaphore, #tpu.memory_space<semaphore_mem>>
    %dma_start3A_161 = tpu.memref_squeeze %dma_start3A_160 : memref<1x!tpu.dma_semaphore, #tpu.memory_space<semaphore_mem>> -> memref<!tpu.dma_semaphore, #tpu.memory_space<semaphore_mem>>
    %dma_start3A_162 = arith.constant 0 : i32
    %dma_start3A_163 = tpu.memref_slice %arg4[%add3A_151, %dma_start3A_162] : memref<819200x128xf32, #tpu.memory_space<hbm>> -> memref<128x128xf32, #tpu.memory_space<hbm>>
    %dma_start3A_164 = arith.constant 0 : i32
    %dma_start3A_165 = arith.constant 0 : i32
    %dma_start3A_166 = tpu.memref_slice %arg6[%dma_start3A_152, %dma_start3A_164, %dma_start3A_165] : memref<6x128x128xf32, #tpu.memory_space<vmem>> -> memref<1x128x128xf32, #tpu.memory_space<vmem>>
    %dma_start3A_167 = tpu.memref_squeeze %dma_start3A_166 : memref<1x128x128xf32, #tpu.memory_space<vmem>> -> memref<128x128xf32, #tpu.memory_space<vmem>>
    tpu.enqueue_dma source(%dma_start3A_167 : memref<128x128xf32, #tpu.memory_space<vmem>>) target(%dma_start3A_163 : memref<128x128xf32, #tpu.memory_space<hbm>>) target_semaphore(%dma_start3A_161 : memref<!tpu.dma_semaphore, #tpu.memory_space<semaphore_mem>>)
    %add3A_168 = arith.constant 25344 : i32
    %add3A_169 = arith.addi %mul3A_6, %add3A_168 : i32
    %dma_wait3A_170 = arith.constant 0 : i32
    %dma_wait3A_171 = arith.constant 0 : i32
    %dma_wait3A_172 = arith.constant 0 : i32
    %dma_wait3A_173 = arith.constant 0 : i32
    %dma_wait3A_174 = tpu.memref_slice %arg6[%dma_wait3A_170, %dma_wait3A_172, %dma_wait3A_173] : memref<6x128x128xf32, #tpu.memory_space<vmem>> -> memref<1x128x128xf32, #tpu.memory_space<vmem>>
    %dma_wait3A_175 = tpu.memref_squeeze %dma_wait3A_174 : memref<1x128x128xf32, #tpu.memory_space<vmem>> -> memref<128x128xf32, #tpu.memory_space<vmem>>
    %dma_wait3A_176 = arith.constant 0 : i32
    %dma_wait3A_177 = tpu.memref_slice %arg4[%add3A_169, %dma_wait3A_176] : memref<819200x128xf32, #tpu.memory_space<hbm>> -> memref<128x128xf32, #tpu.memory_space<hbm>>
    %dma_wait3A_178 = tpu.memref_slice %arg8[%dma_wait3A_171] : memref<6x!tpu.dma_semaphore, #tpu.memory_space<semaphore_mem>> -> memref<1x!tpu.dma_semaphore, #tpu.memory_space<semaphore_mem>>
    %dma_wait3A_179 = tpu.memref_squeeze %dma_wait3A_178 : memref<1x!tpu.dma_semaphore, #tpu.memory_space<semaphore_mem>> -> memref<!tpu.dma_semaphore, #tpu.memory_space<semaphore_mem>>
    %dma_wait3A_180 = arith.constant 0 : i32
    %dma_wait3A_181 = tpu.memref_slice %arg4[%add3A_169, %dma_wait3A_180] : memref<819200x128xf32, #tpu.memory_space<hbm>> -> memref<128x128xf32, #tpu.memory_space<hbm>>
    %dma_wait3A_182 = arith.constant 0 : i32
    %dma_wait3A_183 = arith.constant 0 : i32
    %dma_wait3A_184 = tpu.memref_slice %arg6[%dma_wait3A_170, %dma_wait3A_182, %dma_wait3A_183] : memref<6x128x128xf32, #tpu.memory_space<vmem>> -> memref<1x128x128xf32, #tpu.memory_space<vmem>>
    %dma_wait3A_185 = tpu.memref_squeeze %dma_wait3A_184 : memref<1x128x128xf32, #tpu.memory_space<vmem>> -> memref<128x128xf32, #tpu.memory_space<vmem>>
    tpu.wait_dma2 semaphore(%dma_wait3A_179 : memref<!tpu.dma_semaphore, #tpu.memory_space<semaphore_mem>>) src(%dma_wait3A_185 : memref<128x128xf32, #tpu.memory_space<vmem>>) dst(%dma_wait3A_181 : memref<128x128xf32, #tpu.memory_space<hbm>>)
    %add3A_186 = arith.constant 25472 : i32
    %add3A_187 = arith.addi %mul3A_6, %add3A_186 : i32
    %dma_wait3A_188 = arith.constant 1 : i32
    %dma_wait3A_189 = arith.constant 1 : i32
    %dma_wait3A_190 = arith.constant 0 : i32
    %dma_wait3A_191 = arith.constant 0 : i32
    %dma_wait3A_192 = tpu.memref_slice %arg6[%dma_wait3A_188, %dma_wait3A_190, %dma_wait3A_191] : memref<6x128x128xf32, #tpu.memory_space<vmem>> -> memref<1x128x128xf32, #tpu.memory_space<vmem>>
    %dma_wait3A_193 = tpu.memref_squeeze %dma_wait3A_192 : memref<1x128x128xf32, #tpu.memory_space<vmem>> -> memref<128x128xf32, #tpu.memory_space<vmem>>
    %dma_wait3A_194 = arith.constant 0 : i32
    %dma_wait3A_195 = tpu.memref_slice %arg4[%add3A_187, %dma_wait3A_194] : memref<819200x128xf32, #tpu.memory_space<hbm>> -> memref<128x128xf32, #tpu.memory_space<hbm>>
    %dma_wait3A_196 = tpu.memref_slice %arg8[%dma_wait3A_189] : memref<6x!tpu.dma_semaphore, #tpu.memory_space<semaphore_mem>> -> memref<1x!tpu.dma_semaphore, #tpu.memory_space<semaphore_mem>>
    %dma_wait3A_197 = tpu.memref_squeeze %dma_wait3A_196 : memref<1x!tpu.dma_semaphore, #tpu.memory_space<semaphore_mem>> -> memref<!tpu.dma_semaphore, #tpu.memory_space<semaphore_mem>>
    %dma_wait3A_198 = arith.constant 0 : i32
    %dma_wait3A_199 = tpu.memref_slice %arg4[%add3A_187, %dma_wait3A_198] : memref<819200x128xf32, #tpu.memory_space<hbm>> -> memref<128x128xf32, #tpu.memory_space<hbm>>
    %dma_wait3A_200 = arith.constant 0 : i32
    %dma_wait3A_201 = arith.constant 0 : i32
    %dma_wait3A_202 = tpu.memref_slice %arg6[%dma_wait3A_188, %dma_wait3A_200, %dma_wait3A_201] : memref<6x128x128xf32, #tpu.memory_space<vmem>> -> memref<1x128x128xf32, #tpu.memory_space<vmem>>
    %dma_wait3A_203 = tpu.memref_squeeze %dma_wait3A_202 : memref<1x128x128xf32, #tpu.memory_space<vmem>> -> memref<128x128xf32, #tpu.memory_space<vmem>>
    tpu.wait_dma2 semaphore(%dma_wait3A_197 : memref<!tpu.dma_semaphore, #tpu.memory_space<semaphore_mem>>) src(%dma_wait3A_203 : memref<128x128xf32, #tpu.memory_space<vmem>>) dst(%dma_wait3A_199 : memref<128x128xf32, #tpu.memory_space<hbm>>)
    return
  }
}

</mosaic_0001>

<sc_bundles>
// kernel: _gather.3.cloned.1.call-start
scs
__scs_entry_jumppad:
0x0: {  	(pc) =	sbr.rel $0x88, $3  }
0x1: {  	(tag) =	ssettag $0x0;
	lr =	simm.s32 $0x1  }
0x2: {  	[smem:$0x3F9F] =	sst lr;
	_ =	strace $0xD0000000  }
0x3: {  	_ = 	snop  }
0x4: {  	_ = 	snop  }
0x5: {  	_ = 	snop  }
0x6: {  	_ = 	snop  }
0x7: {  	_ = 	snop  }
__scs_overlays_trampoline_lowered:
0x8: {  	[smem:$0x3FAE] =	sst s0  }
0x9: {  	[smem:$0x3FAF] =	sst s1  }
0xa: {  	[smem:$0x3FB0] =	sst s2  }
0xb: {  	[smem:$0x3FB1] =	sst s3  }
0xc: {  	[smem:$0x3FB2] =	sst s4  }
0xd: {  	[smem:$0x3FB3] =	sst s5  }
0xe: {  	[smem:$0x3FB4] =	sst s6  }
0xf: {  	[smem:$0x3FB5] =	sst s7  }
0x10: {  	[smem:$0x3FB6] =	sst s8  }
0x11: {  	[smem:$0x3FB7] =	sst s9;
	s0 =	simm.s32 @!p0 $0x0  }
0x12: {  	s1 =	sld [smem:$0x3F9D];
	s0 =	simm.s32 @p0 $0x1  }
0x13: {  	[smem:$0x3FB8] =	sst s0;
	s0 =	simm.s32 @!p1 $0x0  }
0x14: {  	s2 =	sld [smem:$0x3F9C];
	s0 =	simm.s32 @p1 $0x1  }
0x15: {  	[smem:$0x3FB9] =	sst s0;
	s0 =	simm.s32 @!p2 $0x0  }
0x16: {  	s3 =	sld [smem:$0x3FDB];
	s0 =	simm.s32 @p2 $0x1  }
0x17: {  	s4 =	simm.s32 $0x1BF5;
	[smem:$0x3FBB] =	sst s0  }
0x18: {  	s0 =	sld [smem:$0x3F9E];
	_ =	swait.ge [sflag:s4], $0x0  }
0x19: {  	s7 =	sld [smem:$0x3F9F]  }
0x1a: {  	s8 =	sadd.s32 $0xFFFFE003, lr  }
0x1b: {  	s9 =	sadd.s32 $0xFFFFFEF7, lr;
	s5 =	simm.s32 $0xFFFFFFFF;
	p2 =	slt.u32 s8, $0xFFFFF086  }
0x1c: {  	p1 =	slt.u32 s9, $0xF7A;
	s5 =	simm.s32 @!p2 $0x0  }
0x1d: {  	s5 =	simm.s32 @p1 $0x1;
	p0 =	seq.s32 s7, s2  }
0x1e: {  	s7 =	smul.u32 @!p0 $0xF7A, s2;
	p2 =	seq.s32 @!p0 s5, $0x0  }
0x1f: {  	s9 =	smul.u32 $0xF7A, s1;
	s8 =	simm.s32 @!p0 $0x1BF5;
	p2 =	por !p2, p0  }
0x20: {  	[sflag:s8] =	ssyncset.s32 @!p0 $0xFFFFF086;
	s6 =	sadd.s32 @!p0 s3, s7;
	s7 =	simm.s32 @!p0 $0x108  }
0x21: {  	s3 =	sadd.s32 s3, s9;
	s6 =	sadd.s32 @!p0 $0x88, s6;
	s7 =	simm.s32 @p2 $0x1082  }
0x22: {  	[simem:s7], [sflag:s8] =	dma.local @!p0 [hbm:s6], $0xF7A  }
0x23: {  	s9 =	sor.u32 $0xD0000000, s2;
	s6 =	simm.s32 $0x108;
	_ =	swait.ge @!p0 [sflag:s8], $0x0  }
0x24: {  	s3 =	sadd.s32 $0x88, s3;
	s6 =	simm.s32 @!p1 $0x1082;
	[sflag:s4] =	ssyncset.s32 $0xFFFFF086  }
0x25: {  	[simem:s6], [sflag:s4] =	dma.local [hbm:s3], $0xF7A  }
0x26: {  	[smem:$0x3F9F] =	sst s1;
	(tag) =	ssettag s2;
	_ =	strace s9  }
0x27: {  	s1 =	sld [smem:$0x3FAF]  }
0x28: {  	s2 =	sld [smem:$0x3FB0]  }
0x29: {  	s4 =	sld [smem:$0x3FB2]  }
0x2a: {  	p0 =	seq.s32 s5, $0x0;
	s5 =	sld [smem:$0x3FB3]  }
0x2b: {  	s6 =	sld [smem:$0x3FB4]  }
0x2c: {  	s7 =	sld [smem:$0x3FB5]  }
0x2d: {  	s3 =	simm.s32 $0x108;
	s8 =	sld [smem:$0x3FB6]  }
0x2e: {  	s3 =	simm.s32 @!p0 $0x1082;
	s9 =	sld [smem:$0x3FB7]  }
0x2f: {  	lr =	sadd.s32 s0, s3;
	s0 =	sld [smem:$0x3FAE]  }
0x30: {  	s3 =	sld [smem:$0x3FB1]  }
0x31: {  	[smem:$0x3FBA] =	sst s10  }
0x32: {  	s10 =	sld [smem:$0x3FB8];
	_ =	sdelay $0x3  }
0x33: {  	p0 =	seq.s32 s10, $0x1;
	s10 =	sld [smem:$0x3FBA];
	_ =	sdelay $0x3  }
0x34: {  	[smem:$0x3FBA] =	sst s10  }
0x35: {  	s10 =	sld [smem:$0x3FB9];
	_ =	sdelay $0x3  }
0x36: {  	p1 =	seq.s32 s10, $0x1;
	s10 =	sld [smem:$0x3FBA];
	_ =	sdelay $0x3  }
0x37: {  	[smem:$0x3FBA] =	sst s10  }
0x38: {  	s10 =	sld [smem:$0x3FBB]  }
0x39: {  	_ = 	snop;
	(pc) =	sbr.ind lr, $3  }
0x3a: {  	_ = 	snop  }
0x3b: {  	_ = 	snop  }
0x3c: {  	p2 =	seq.s32 s10, $0x1;
	s10 =	sld [smem:$0x3FBA]  }
0x3d: {  	_ =	shalt  }
0x3e: {  	_ =	shalt  }
0x3f: {  	_ =	shalt  }
0x40: {  	_ =	shalt  }
0x41: {  	_ =	shalt  }
0x42: {  	_ =	shalt  }
0x43: {  	_ =	shalt  }
0x44: {  	_ =	shalt  }
0x45: {  	_ =	shalt  }
0x46: {  	_ =	shalt  }
0x47: {  	_ =	shalt  }
0x48: {  	_ =	shalt  }
0x49: {  	_ =	shalt  }
0x4a: {  	_ =	shalt  }
0x4b: {  	_ =	shalt  }
0x4c: {  	_ =	shalt  }
0x4d: {  	_ =	shalt  }
0x4e: {  	_ =	shalt  }
0x4f: {  	_ =	shalt  }
0x50: {  	_ =	shalt  }
0x51: {  	_ =	shalt  }
0x52: {  	_ =	shalt  }
0x53: {  	_ =	shalt  }
0x54: {  	_ =	shalt  }
0x55: {  	_ =	shalt  }
0x56: {  	_ =	shalt  }
0x57: {  	_ =	shalt  }
0x58: {  	_ =	shalt  }
0x59: {  	_ =	shalt  }
0x5a: {  	_ =	shalt  }
0x5b: {  	_ =	shalt  }
0x5c: {  	_ =	shalt  }
0x5d: {  	_ =	shalt  }
0x5e: {  	_ =	shalt  }
0x5f: {  	_ =	shalt  }
0x60: {  	_ =	shalt  }
0x61: {  	_ =	shalt  }
0x62: {  	_ =	shalt  }
0x63: {  	_ =	shalt  }
0x64: {  	_ =	shalt  }
0x65: {  	_ =	shalt  }
0x66: {  	_ =	shalt  }
0x67: {  	_ =	shalt  }
0x68: {  	_ =	shalt  }
0x69: {  	_ =	shalt  }
0x6a: {  	_ =	shalt  }
0x6b: {  	_ =	shalt  }
0x6c: {  	_ =	shalt  }
0x6d: {  	_ =	shalt  }
0x6e: {  	_ =	shalt  }
0x6f: {  	_ =	shalt  }
0x70: {  	_ =	shalt  }
0x71: {  	_ =	shalt  }
0x72: {  	_ =	shalt  }
0x73: {  	_ =	shalt  }
0x74: {  	_ =	shalt  }
0x75: {  	_ =	shalt  }
0x76: {  	_ =	shalt  }
0x77: {  	_ =	shalt  }
0x78: {  	_ =	shalt  }
0x79: {  	_ =	shalt  }
0x7a: {  	_ =	shalt  }
0x7b: {  	_ =	shalt  }
0x7c: {  	_ =	shalt  }
0x7d: {  	_ =	shalt  }
0x7e: {  	_ =	shalt  }
0x7f: {  	_ =	shalt  }
0x80: {  	_ =	shalt  }
0x81: {  	_ =	shalt  }
0x82: {  	_ =	shalt  }
0x83: {  	_ =	shalt  }
0x84: {  	_ =	shalt  }
0x85: {  	_ =	shalt  }
0x86: {  	_ =	shalt  }
0x87: {  	_ =	shalt  }
.Lfunc_end0:
.L_simem_size_0:
called_computation_lowered:
.L_overlay_start_0:
0x88: {  	s2 =	sld [smem:$0x3FD9]  }
0x89: {  	s3 =	sld [smem:$0x3FFE];
	_ =	sdelay $0x1  }
0x8a: {  	s1 =	srdreg.scid  }
0x8b: {  	s0 =	sand.u32 $0x1, s1  }
0x8c: {  	s18 =	sshll.u32 s0, $0xA;
	s2 =	sadd.s32 s3, s2  }
0x8d: {  	s2 =	sadd.s32 s2, s18  }
0x8e: {  	[smem:$0x3FC6] =	sst s2  }
0x8f: {  	_ = 	snop  }
0x90: {  	s2 =	sld [smem:$0x3FC9]  }
0x91: {  	s19 =	sld [smem:$0x3FC8]  }
0x92: {  	s4 =	sld [smem:$0x3FD0];
	(tm) =	ssettm $0x1  }
0x93: {  	s5 =	sld [smem:$0x3FFB];
	_ =	sdelay $0x3  }
0x94: {  	_ =	strace s5  }
0x95: {  	s5 =	sld [smem:$0x3FFC];
	_ =	sdelay $0x3  }
0x96: {  	_ =	strace s5  }
0x97: {  	s5 =	sld [smem:$0x3FFD];
	_ =	sdelay $0x3  }
0x98: {  	_ =	strace s5  }
0x99: {  	_ =	strace $0x8FFFFFFF  }
0x9a: {  	s20 =	sld [smem:$0x3FDB];
	_ =	sdelay $0x1  }
0x9b: {  	s6 =	simm.s32 $_scs_section_size  }
0x9c: {  	s7 =	simm.s32 $_size__tile_overlayer_lowered;
	s8 =	simm.s32 $_tile_overlayer_lowered  }
0x9d: {  	s23 =	simm.s32 $0x1BFF;
	s22 =	sshll.u32 s8, $0x1;
	s5 =	sadd.s32 s6, s20  }
0x9e: {  	s9 =	simm.s32 $0x0;
	s21 =	sshll.u32 s7, $0x1;
	s7 =	sadd.s32 s22, s5  }
0x9f: {  	[timem:s9], [sflag:s23] =	dma.local [hbm:s7], s21  }
0xa0: {  	_ =	swait.ge [sflag:s23], s21  }
0xa1: {  	s6 =	ssub.s32 $0x0, s21;
	[sflag:s23] =	ssyncset.done $0x0  }
0xa2: {  	[sflag:s23] =	ssyncadd.s32 s6;
	_ =	sdelay $0x1  }
0xa3: {  	s24 =	simm.s32 $0x1B8B  }
0xa4: {  	_ =	swait.ge [sflag:s24], $0x1  }
0xa5: {  	[sflag:s24] =	ssyncset.done $0x0  }
0xa6: {  	s25 =	simm.s32 $0x1B8E;
	[sflag:s24] =	ssyncadd.s32 $0xFFFFFFFF  }
0xa7: {  	s26 =	simm.s32 $execute0_lowered;
	[smem:$0x3FD2] =	sst s25  }
0xa8: {  	s6 =	sshll.u32 s26, $0x1;
	_ =	strace $0x80000046;
	[dreg:$0x1] =	wrdreg $0xFFFFFFFF  }
0xa9: {  	s28 =	simm.s32 $_size_execute0_lowered;
	s5 =	sadd.s32 s5, s6;
	[dreg:$0x0] =	wrdreg $0x0  }
0xaa: {  	s6 =	sshll.u32 s28, $0x1;
	[dreg:$0x2] =	wrdreg s5  }
0xab: {  	[dreg:$0x3] =	wrdreg s6  }
0xac: {  	[dreg:$0x4] =	wrdreg $0xC0  }
0xad: {  	_ =	task [dreg:s9], $0x5FFFF  }
0xae: {  	[dreg:$0x1] =	wrdreg $0xFFFFFFFF  }
0xaf: {  	[dreg:$0x0] =	wrdreg $0x60  }
0xb0: {  	[dreg:$0x2] =	wrdreg s2  }
0xb1: {  	[dreg:$0x3] =	wrdreg s19  }
0xb2: {  	[dreg:$0x4] =	wrdreg s4  }
0xb3: {  	[dreg:$0x5] =	wrdreg $0x9  }
0xb4: {  	_ =	task.clear_ibuf [dreg:s9], $0x6FFFF;
	_ =	strace $0x90000046  }
0xb5: {  	s29 =	simm.s32 $0x9;
	_ =	strace $0x80000048  }
0xb6: {  	_ =	swait.ge [sflag:s29], $0x1  }
0xb7: {  	[sflag:s29] =	ssyncadd.s32 $0xFFFFFFFF  }
0xb8: {  	_ =	strace $0x90000048  }
0xb9: {  	_ =	sfence  }
0xba: {  	s30 =	sld [smem:$0x0];
	_ =	sdelay $0x2  }
0xbb: {  	s31 =	sshll.u32 s1, $0xD;
	s1 =	sshrl.u32 s1, $0x2  }
0xbc: {  	s3 =	sand.u32 $0x4000, s31;
	s1 =	sadd.s32 s1, s30  }
0xbd: {  	s0 =	sor.u32 s3, s0;
	s1 =	sshll.u32 s1, $0x11  }
0xbe: {  	s0 =	sor.u32 s1, s0  }
0xbf: {  	s0 =	sadd.s32 $0x8F2B, s0  }
0xc0: {  	[sflag:s0] =	ssyncadd.remote.s32 $0x1  }
0xc1: {  	_ =	sfence.sel $0xFFFF  }
0xc2: {  	[dreg:$0x0] =	wrdreg $0xFFFFFFFF;
	(pc) =	sbr.abs _section_cstart, $3  }
0xc3: {  	[dreg:$0x1] =	wrdreg $0xFFFFFFFF  }
0xc4: {  	_ =	task.clear_ibuf [dreg:s9], $0x2FFFF;
	_ =	strace $0x9FFFFFFF  }
0xc5: {  	(tm) =	ssettm $0x7FFFFFFF  }
tec
execute0_lowered:
.L_overlay_start_1:
0x0: {  	(tag) =	ssettag $0x1  }
0x1: {  	s1 =	rddreg [dreg:$0x0]  }
0x2: {  	s0 =	srdreg.scid;
	s4 =	rddreg [dreg:$0x1]  }
0x3: {  	s11 =	stileid.u32;
	s5 =	rddreg [dreg:$0x2]  }
0x4: {  	s3 =	simm.s32 $0x0;
	s15 =	simm.s32 $0x80;
	s16 =	simm.s32 $0x6400  }
0x5: {  	s28 =	simm.s32 $0x7;
	s29 =	simm.s32 $0x3;
	s8 =	smul.u32 $0x640000, s11  }
0x6: {  	s0 =	sand.u32 $0x1, s0;
	s2 =	sshll.u32 s11, $0x1;
	s25 =	smul.u32 $0xC8000, s11  }
0x7: {  	s30 =	simm.s32 $0x8;
	s2 =	sor.u32 s0, s2;
	s10 =	smul.u32 $0x320000, s0  }
0x8: {  	s31 =	simm.s32 $0x4;
	s7 =	ssub.s32 $0x2, s0;
	s6 =	smul.u32 $0xC80, s2  }
0x9: {  	[smem:$0x7FF] =	sst s3;
	s2 =	smul.u32 $0x320000, s2;
	s9 =	sshrl.u32 s7, $0x1  }
0xa: {  	_ =	strace $0x80000047;
	s0 =	smul.u32 $0x64000, s0;
	s7 =	ssub.s32 s7, s9  }
0xb: {  	s18 =	sadd.s32 s10, s8;
	s2 =	sshrl.u32 s2, $0x3;
	s4 =	sadd.s32 s4, s6  }
0xc: {  	s19 =	smax.u32 s7, $0x1;
	s20 =	sor.u32 $0x10000, s18;
	s21 =	sor.u32 $0xC000, s18  }
0xd: {  	s22 =	sor.u32 $0x8000, s18;
	s26 =	sor.u32 $0x4000, s18;
	[dreg:$0x4] =	wrdreg s4  }
0xe: {  	s2 =	sadd.s32 s5, s2;
	[dreg:$0x7] =	wrdreg s19;
	s23 =	sshrl.u32 s21, $0x3  }
0xf: {  	s24 =	sshrl.u32 s22, $0x3;
	s4 =	sor.u32 $0x14000, s18;
	s6 =	sshrl.u32 s26, $0x3  }
0x10: {  	s19 =	simm.s32 $0xE400;
	s21 =	simm.s32 $0x12400;
	s26 =	simm.s32 $0x2  }
0x11: {  	s18 =	simm.s32 $0xA;
	s22 =	simm.s32 $0xB;
	s17 =	sadd.s32 $0x63000, s2  }
0x12: {  	s2 =	sadd.s32 $0x63800, s2;
	s9 =	sadd.s32 s23, s5;
	s10 =	sadd.s32 s24, s5  }
0x13: {  	s4 =	sshrl.u32 s4, $0x3;
	s11 =	sadd.s32 s6, s5;
	s23 =	simm.s32 $0x16400  }
.Ltmp0:
0x14: {  	s24 =	simm.s32 $0x1;
	[dreg:$0x5] =	wrdreg s17;
	(pc) =	sbr.rel .LBB2_1-.Ltmp0, $4  }
0x15: {  	[dreg:$0x6] =	wrdreg s2;
	s2 =	sshrl.u32 s20, $0x3;
	s13 =	sadd.s32 s4, s5  }
0x16: {  	s17 =	simm.s32 $0xA400;
	s20 =	simm.s32 $0x6;
	s8 =	sadd.s32 s2, s5  }
0x17: {  	s2 =	sadd.s32 s25, s5;
	s25 =	simm.s32 $0x1A400;
	s5 =	simm.s32 $0x0  }
0x18: {  	s12 =	sadd.s32 s0, s2;
	s2 =	simm.s32 $0x9;
	s0 =	simm.s32 $0x5  }
.LBB2_4:
0x19: {  	_ =	swait.ge [sflag:s24], $0x4000  }
0x1a: {  	[sflag:s24] =	ssyncset.done $0x0  }
0x1b: {  	s6 =	simm.s32 $0xC;
	s4 =	rddreg [dreg:$0x5];
	[sflag:s24] =	ssyncadd.s32 $0xFFFFC000  }
0x1c: {  	[hbm4b:s4+s3] =	stream.linear.scatter [tilespmem:s16], [sflag:$0x7], $0x4000, $0x38;
	[tilespmem:$0x1E400] =	vst v63  }
0x1d: {  	_ =	swait.ge [sflag:s6], $0x4000  }
0x1e: {  	[sflag:s6] =	ssyncset.done $0x0  }
0x1f: {  	[sflag:s6] =	ssyncadd.s32 $0xFFFFC000  }
0x20: {  	_ =	swait.ge [sflag:s26], $0x4000  }
0x21: {  	[sflag:s26] =	ssyncset.done $0x0  }
0x22: {  	s7 =	rddreg [dreg:$0x6];
	[sflag:s26] =	ssyncadd.s32 $0xFFFFC000  }
0x23: {  	[hbm4b:s7+s3] =	stream.linear.scatter [tilespmem:s17], [sflag:$0x8], $0x4000, $0x38;
	[tilespmem:$0x1E400] =	vst v63  }
0x24: {  	_ =	swait.ge [sflag:s28], $0x4000  }
0x25: {  	[sflag:s28] =	ssyncset.done $0x0  }
0x26: {  	[sflag:s28] =	ssyncadd.s32 $0xFFFFC000  }
0x27: {  	_ =	swait.ge [sflag:s30], $0x4000  }
0x28: {  	s5 =	rddreg [dreg:$0x8]  }
0x29: {  	s14 =	rddreg [dreg:$0x7];
	s5 =	sadd.s32 $0x1, s5  }
0x2a: {  	p0 =	sne.s32 s5, s14  }
.Ltmp1:
0x2b: {  	_ = 	snop;
	(pc) =	sbr.rel @!p0 .LBB2_5-.Ltmp1, $3  }
0x2c: {  	_ =	sdelay $0x1  }
0x2d: {  	[sflag:s30] =	ssyncset.done $0x0  }
0x2e: {  	[sflag:s30] =	ssyncadd.s32 $0xFFFFC000  }
.LBB2_1:
0x2f: {  	[dreg:$0x8] =	wrdreg s5  }
0x30: {  	s4 =	rddreg [dreg:$0x4];
	s5 =	simm.s32 $0xD  }
0x31: {  	[tilespmem:s3], [sflag:$0xD] =	stream.linear.gather [hbm4b:s4+s3], $0x6400, $0x38;
	[tilespmem:$0x1E400] =	vst v63  }
0x32: {  	_ =	swait.ge [sflag:s5], $0x6400  }
0x33: {  	[sflag:s5] =	ssyncset.done $0x0  }
0x34: {  	[sflag:s5] =	ssyncadd.s32 $0xFFFF9C00  }
0x35: {  	[tilespmem:s16], [sflag:$0x1] =	stream.indirect.gather [hbm4b:s1+s15], $0x80, s3, s15, $0xb8;
	[tilespmem:$0x1E400] =	vst v63  }
0x36: {  	_ = 	snop  }
0x37: {  	[tilespmem:s17], [sflag:$0x2] =	stream.indirect.gather [hbm4b:s1+s15], $0x80, s15, s15, $0xb8;
	[tilespmem:$0x1E400] =	vst v63  }
0x38: {  	s6 =	simm.s32 $0x100  }
0x39: {  	[tilespmem:s19], [sflag:$0x3] =	stream.indirect.gather [hbm4b:s1+s15], $0x80, s6, s15, $0xb8;
	[tilespmem:$0x1E400] =	vst v63  }
0x3a: {  	s7 =	simm.s32 $0x180  }
0x3b: {  	[tilespmem:s21], [sflag:$0x4] =	stream.indirect.gather [hbm4b:s1+s15], $0x80, s7, s15, $0xb8;
	[tilespmem:$0x1E400] =	vst v63  }
0x3c: {  	s14 =	simm.s32 $0x200;
	s6 =	simm.s32 $0x280;
	s7 =	simm.s32 $0x0  }
0x3d: {  	[tilespmem:s23], [sflag:$0x5] =	stream.indirect.gather [hbm4b:s1+s15], $0x80, s14, s15, $0xb8;
	[tilespmem:$0x1E400] =	vst v63  }
.LBB2_2:
0x3e: {  	_ =	swait.ge [sflag:s24], $0x4000  }
0x3f: {  	[sflag:s24] =	ssyncset.done $0x0  }
0x40: {  	s14 =	sadd.s32 s7, s12;
	p0 =	seq.s32 s7, $0x0;
	[sflag:s24] =	ssyncadd.s32 $0xFFFFC000  }
0x41: {  	[hbm4b:s14+s3] =	stream.linear.scatter [tilespmem:s16], [sflag:$0x7], $0x4000, $0x38;
	[tilespmem:$0x1E400] =	vst v63  }
0x42: {  	s14 =	simm.s32 @!p0 $0xC  }
0x43: {  	_ =	swait.ge @!p0 [sflag:s14], $0x4000  }
0x44: {  	[sflag:s14] =	ssyncset.done @!p0 $0x0  }
0x45: {  	[sflag:s14] =	ssyncadd.s32 @!p0 $0xFFFFC000  }
0x46: {  	[tilespmem:s25], [sflag:$0x6] =	stream.indirect.gather [hbm4b:s1+s15], $0x80, s6, s15, $0xb8;
	[tilespmem:$0x1E400] =	vst v63  }
0x47: {  	_ =	swait.ge [sflag:s26], $0x4000  }
0x48: {  	[sflag:s26] =	ssyncset.done $0x0  }
0x49: {  	s5 =	sadd.s32 s7, s11;
	[sflag:s26] =	ssyncadd.s32 $0xFFFFC000  }
0x4a: {  	[hbm4b:s5+s3] =	stream.linear.scatter [tilespmem:s17], [sflag:$0x8], $0x4000, $0x38;
	[tilespmem:$0x1E400] =	vst v63  }
0x4b: {  	_ =	swait.ge [sflag:s28], $0x4000  }
0x4c: {  	[sflag:s28] =	ssyncset.done $0x0  }
0x4d: {  	s4 =	sadd.s32 $0x80, s6;
	[sflag:s28] =	ssyncadd.s32 $0xFFFFC000  }
0x4e: {  	[tilespmem:s16], [sflag:$0x1] =	stream.indirect.gather [hbm4b:s1+s15], $0x80, s4, s15, $0xb8;
	[tilespmem:$0x1E400] =	vst v63  }
0x4f: {  	_ =	swait.ge [sflag:s29], $0x4000  }
0x50: {  	[sflag:s29] =	ssyncset.done $0x0  }
0x51: {  	s5 =	sadd.s32 s7, s10;
	[sflag:s29] =	ssyncadd.s32 $0xFFFFC000  }
0x52: {  	[hbm4b:s5+s3] =	stream.linear.scatter [tilespmem:s19], [sflag:$0x9], $0x4000, $0x38;
	[tilespmem:$0x1E400] =	vst v63  }
0x53: {  	_ =	swait.ge [sflag:s30], $0x4000  }
0x54: {  	[sflag:s30] =	ssyncset.done $0x0  }
0x55: {  	s4 =	sadd.s32 $0x100, s6;
	[sflag:s30] =	ssyncadd.s32 $0xFFFFC000  }
0x56: {  	[tilespmem:s17], [sflag:$0x2] =	stream.indirect.gather [hbm4b:s1+s15], $0x80, s4, s15, $0xb8;
	[tilespmem:$0x1E400] =	vst v63  }
0x57: {  	_ =	swait.ge [sflag:s31], $0x4000  }
0x58: {  	[sflag:s31] =	ssyncset.done $0x0  }
0x59: {  	s5 =	sadd.s32 s7, s9;
	[sflag:s31] =	ssyncadd.s32 $0xFFFFC000  }
0x5a: {  	[hbm4b:s5+s3] =	stream.linear.scatter [tilespmem:s21], [sflag:$0xA], $0x4000, $0x38;
	[tilespmem:$0x1E400] =	vst v63  }
0x5b: {  	p0 =	seq.s32 s7, $0x60000;
	_ =	swait.ge [sflag:s2], $0x4000  }
0x5c: {  	s14 =	sadd.s32 @!p0 $0x180, s6;
	[sflag:s2] =	ssyncset.done $0x0  }
0x5d: {  	s4 =	simm.s32 @!p0 $0x80;
	s5 =	simm.s32 @!p0 $0xE400;
	[sflag:s2] =	ssyncadd.s32 $0xFFFFC000  }
0x5e: {  	[tilespmem:s5], [sflag:$0x3] =	stream.indirect.gather @!p0 [hbm4b:s1+s4], $0x80, s14, s4, $0xb8;
	[tilespmem:$0x1E400] =	vst v63  }
0x5f: {  	_ =	swait.ge [sflag:s0], $0x4000  }
0x60: {  	[sflag:s0] =	ssyncset.done $0x0  }
0x61: {  	s14 =	sadd.s32 s7, s8;
	[sflag:s0] =	ssyncadd.s32 $0xFFFFC000  }
0x62: {  	[hbm4b:s14+s3] =	stream.linear.scatter [tilespmem:s23], [sflag:$0xB], $0x4000, $0x38;
	[tilespmem:$0x1E400] =	vst v63  }
0x63: {  	_ =	swait.ge [sflag:s18], $0x4000  }
0x64: {  	[sflag:s18] =	ssyncset.done $0x0  }
0x65: {  	s5 =	sadd.s32 @!p0 $0x200, s6;
	s14 =	simm.s32 @!p0 $0x12400;
	[sflag:s18] =	ssyncadd.s32 $0xFFFFC000  }
0x66: {  	[tilespmem:s14], [sflag:$0x4] =	stream.indirect.gather @!p0 [hbm4b:s1+s4], $0x80, s5, s4, $0xb8;
	[tilespmem:$0x1E400] =	vst v63  }
0x67: {  	_ =	swait.ge [sflag:s20], $0x4000  }
0x68: {  	[sflag:s20] =	ssyncset.done $0x0  }
.Ltmp2:
0x69: {  	s14 =	sadd.s32 s7, s13;
	[sflag:s20] =	ssyncadd.s32 $0xFFFFC000;
	(pc) =	sbr.rel @p0 .LBB2_4-.Ltmp2, $4  }
0x6a: {  	[hbm4b:s14+s3] =	stream.linear.scatter [tilespmem:s25], [sflag:$0xC], $0x4000, $0x38;
	[tilespmem:$0x1E400] =	vst v63  }
0x6b: {  	_ =	swait.ge [sflag:s22], $0x4000  }
0x6c: {  	[sflag:s22] =	ssyncset.done $0x0  }
0x6d: {  	[sflag:s22] =	ssyncadd.s32 $0xFFFFC000  }
.Ltmp3:
0x6e: {  	(pc) =	sbr.rel .LBB2_2-.Ltmp3, $3  }
0x6f: {  	_ =	sdelay $0x1  }
0x70: {  	s4 =	sadd.s32 $0x280, s6;
	s7 =	sadd.s32 $0x3000, s7;
	s6 =	sadd.s32 $0x300, s6  }
0x71: {  	[tilespmem:s23], [sflag:$0x5] =	stream.indirect.gather [hbm4b:s1+s15], $0x80, s4, s15, $0xb8;
	[tilespmem:$0x1E400] =	vst v63  }
.LBB2_5:
0x72: {  	_ =	sfence.sel $0x180000  }
0x73: {  	[bflag:$0x0] =	sbarrier.arrive $0xFFFF  }
0x74: {  	_ =	strace $0x90000047  }
0x75: {  	s0 =	stileid.u32;
	[bflag:$0x2] =	sbarrier.arrive $0xFFFF  }
0x76: {  	p0 =	sne.s32 s0, $0x0;
	s0 =	rddreg [dreg:$0x3]  }
0x77: {  	s0 =	sadd.s32 @!p0 $0x100000, s0  }
0x78: {  	[sflag:s0] =	ssyncadd.tile.s32 @!p0 $0x1;
	_ =	shalt  }
.Lfunc_end2:
_tile_overlayer_lowered:
.L_overlay_start_2:
0x79: {  	(tag) =	ssettag $0x2  }
0x7a: {  	s0 =	rddreg [dreg:$0x0];
	s2 =	stileid.u32  }
0x7b: {  	s1 =	rddreg [dreg:$0x1];
	p0 =	sne.s32 s2, $0x0  }
0x7c: {  	s3 =	rddreg [dreg:$0x2];
	[bflag:$0x3] =	sbarrier.arrive $0xFFFF;
	s2 =	simm.s32 @!p0 $0x1C0D  }
0x7d: {  	[timem:s3], [sflag:s2] =	dma.local @!p0 [hbm:s0], s1  }
0x7e: {  	s0 =	simm.s32 @!p0 $0xD  }
0x7f: {  	_ =	swait.ge @!p0 [sflag:s0], s1  }
0x80: {  	s1 =	ssub.s32 @!p0 $0x0, s1;
	[sflag:s0] =	ssyncset.done @!p0 $0x0  }
0x81: {  	[sflag:s0] =	ssyncadd.s32 @!p0 s1  }
0x82: {  	[bflag:$0x3] =	sbarrier.arrive $0xFFFF  }
0x83: {  	_ =	shalt  }

</sc_bundles>
